<compile_context>
chip_gen: v7x
topology: tpu7x:2x2x1
jax: 0.10.2.dev20260603
libtpu: 0.0.44.dev20260713+nightly
codegen_flags: <defaults>
</compile_context>

<pallas_src>
import functools

import jax
import jax.numpy as jnp
from jax import lax
from jax.experimental import pallas as pl
from jax.experimental.pallas import tpu as pltpu
from jax.experimental.pallas import tpu_sc as plsc

_B, _L = 4096, 200
_N = _B * _L
_DW, _DP = 128, 16
_D = _DW + _DP
_NC, _NS = 2, 16
_NW = _NC * _NS
_RW = _B // _NW
_CR = 32
_NCH = _RW // _CR
_GA, _GB = 128, _L - 128


def _build():
  mesh = plsc.VectorSubcoreMesh(core_axis_name="c", subcore_axis_name="s")

  @functools.partial(
      pl.kernel,
      mesh=mesh,
      compiler_params=pltpu.CompilerParams(needs_layout_passes=False),
      out_type=jax.ShapeDtypeStruct((_B, _L, _D), jnp.float32),
      scratch_types=[
          pltpu.VMEM((_CR, _L), jnp.int32),
          pltpu.VMEM((_CR, _L), jnp.int32),
          pltpu.VMEM((24, _DP), jnp.float32),
          pltpu.VMEM((2, _L, _DW), jnp.float32),
          pltpu.VMEM((2, _L, _DP), jnp.float32),
          pltpu.SemaphoreType.DMA,
          pltpu.SemaphoreType.DMA,
          pltpu.SemaphoreType.DMA,
          pltpu.SemaphoreType.DMA,
      ],
  )
  def emb(x_hbm, p_hbm, ww_hbm, wp_hbm, out_hbm,
          xi, pi, wp_v, wrows, prows, gs0, gs1, ws0, ws1):
    gsem = (gs0, gs1)
    wsem = (ws0, ws1)
    wid = lax.axis_index("s") * _NC + lax.axis_index("c")
    rowbase = wid * _RW
    lanes = lax.iota(jnp.int32, 16)
    pltpu.sync_copy(wp_hbm, wp_v)

    def issue_gather(rl, b):
      pltpu.async_copy(ww_hbm.at[xi.at[rl, pl.ds(0, _GA)]],
                       wrows.at[b, pl.ds(0, _GA)], gsem[b])
      pltpu.async_copy(ww_hbm.at[xi.at[rl, pl.ds(_GA, _GB)]],
                       wrows.at[b, pl.ds(_GA, _GB)], gsem[b])

    def wait_gather(b):
      pltpu.make_async_copy(
          ww_hbm.at[xi.at[0, pl.ds(0, _GA)]], wrows.at[b, pl.ds(0, _GA)],
          gsem[b]).wait()
      pltpu.make_async_copy(
          ww_hbm.at[xi.at[0, pl.ds(_GA, _GB)]], wrows.at[b, pl.ds(_GA, _GB)],
          gsem[b]).wait()

    def pos_fill(rl, b):
      @pl.loop(0, _L - 8, step=16)
      def _tok(i0):
        pvec = pi[rl, pl.ds(i0, 16)]
        for j in range(16):
          row = lax.broadcast(pvec[j], (16,))
          prows[b, i0 + j, :] = plsc.load_gather(wp_v, [row, lanes])

      pvec = pi[rl, pl.ds(_L - 16, 16)]
      for j in range(8, 16):
        row = lax.broadcast(pvec[j], (16,))
        prows[b, _L - 16 + j, :] = plsc.load_gather(wp_v, [row, lanes])

    def issue_write(row, b):
      pltpu.async_copy(
          wrows.at[b], out_hbm.at[row, pl.ds(0, _L), pl.ds(0, _DW)], wsem[b])
      pltpu.async_copy(
          prows.at[b], out_hbm.at[row, pl.ds(0, _L), pl.ds(_DW, _DP)],
          wsem[b])

    def wait_write(b):
      pltpu.make_async_copy(
          wrows.at[b], out_hbm.at[0, pl.ds(0, _L), pl.ds(0, _DW)],
          wsem[b]).wait()
      pltpu.make_async_copy(
          prows.at[b], out_hbm.at[0, pl.ds(0, _L), pl.ds(_DW, _DP)],
          wsem[b]).wait()

    @pl.loop(0, _NCH)
    def _chunk(c):
      crow = rowbase + c * _CR
      pltpu.sync_copy(x_hbm.at[pl.ds(crow, _CR)], xi)
      pltpu.sync_copy(p_hbm.at[pl.ds(crow, _CR)], pi)
      issue_gather(0, 0)
      issue_gather(1, 1)

      @pl.loop(0, _CR, step=2)
      def _rows(rl0):
        for b in range(2):
          rl = rl0 + b
          pos_fill(rl, b)
          wait_gather(b)
          issue_write(crow + rl, b)
          wait_write(b)

          @pl.when(rl + 2 < _CR)
          def _():
            issue_gather(rl + 2, b)

  return emb


_emb = _build()


@jax.jit
def kernel(x, pos, W_word, W_pos):
  return _emb(x.astype(jnp.int32), pos.astype(jnp.int32), W_word, W_pos)

# --- scband reference (transcript-rebuilt; emitter-appended) ---
"""Pipeline reference for scband-base-model-12206297055248 (READ-ONLY COPY).

The authoritative reference and input builder live on the scoring server;
editing this copy changes nothing except your own understanding.
"""

import jax, jax.numpy as jnp
import numpy as np

VOCAB = 1002  # vocab_size + 2
POS = 24
D_W = 128
D_P = 16
B, L = 4096, 200

def setup_inputs(seed: int = 0) -> dict:
    key = jax.random.key(seed)
    k1, k2, k3, k4 = jax.random.split(key, 4)
    x = jax.random.randint(k1, (B, L), 0, 1000)
    pos = jax.random.randint(k2, (B, L), 0, POS)
    W_word = (jax.random.normal(k3, (VOCAB, D_W), dtype=jnp.float32) * 0.02).at[0].set(0.0)  # padding_idx=0
    W_pos = (jax.random.normal(k4, (POS, D_P), dtype=jnp.float32) * 0.02).at[0].set(0.0)  # padding_idx=0
    return {"x": x, "pos": pos, "W_word": W_word, "W_pos": W_pos}

def reference(x, pos, W_word, W_pos):
    # embed_word lookup
    we = jnp.take(W_word, x, axis=0)   # [B, L, D_W]
    # embed_pos lookup
    pe = jnp.take(W_pos, pos, axis=0)  # [B, L, D_P]
    # embed_drop is identity in eval mode; concat word + pos embeddings
    return jnp.concatenate([we, pe], axis=-1)  # [B, L, D_W + D_P]

if __name__ == "__main__":
    import jax
    _d = setup_inputs()
    print(jax.jit(kernel)(*tuple(_d.values())))

</pallas_src>

<mosaic_0001>
#map = affine_map<(d0, d1) -> (0, 0)>
#map1 = affine_map<(d0, d1) -> (0, 0, 0)>
module attributes {stable_mosaic.version = 14 : i64} {
  func.func @emb(%arg0: i32, %arg1: i32, %arg2: memref<4096x200xi32, #tpu.memory_space<hbm>>, %arg3: memref<4096x200xi32, #tpu.memory_space<hbm>>, %arg4: memref<1002x128xf32, #tpu.memory_space<hbm>>, %arg5: memref<24x16xf32, #tpu.memory_space<hbm>>, %arg6: memref<4096x200x144xf32, #tpu.memory_space<hbm>>, %arg7: memref<32x200xi32, #tpu.memory_space<vmem>>, %arg8: memref<32x200xi32, #tpu.memory_space<vmem>>, %arg9: memref<24x16xf32, #tpu.memory_space<vmem>>, %arg10: memref<2x200x128xf32, #tpu.memory_space<vmem>>, %arg11: memref<2x200x16xf32, #tpu.memory_space<vmem>>, %arg12: memref<!tpu.dma_semaphore, #tpu.memory_space<semaphore_mem>>, %arg13: memref<!tpu.dma_semaphore, #tpu.memory_space<semaphore_mem>>, %arg14: memref<!tpu.dma_semaphore, #tpu.memory_space<semaphore_mem>>, %arg15: memref<!tpu.dma_semaphore, #tpu.memory_space<semaphore_mem>>) attributes {dimension_semantics = [#tpu.dimension_semantics<core_parallel>, #tpu.dimension_semantics<subcore_parallel>], iteration_bounds = array<i64: 2, 16>, scalar_prefetch = 0 : i64, scratch_operands = 9 : i64, tpu.core_type = #tpu.core_type<sc_vector_subcore>, window_params = [{transform_indices = #map}, {transform_indices = #map}, {transform_indices = #map}, {transform_indices = #map}, {transform_indices = #map1}]} {
    %mul3A = arith.constant 2 : i32
    %mul3A_0 = arith.muli %arg1, %mul3A : i32
    %add3A = arith.addi %mul3A_0, %arg0 : i32
    %mul3A_1 = arith.constant 128 : i32
    %mul3A_2 = arith.muli %add3A, %mul3A_1 : i32
    %iota3A = tpu.iota {dimensions = array<i32: 0>} : vector<16xi32>
    "tpu.region"() ({
      %run_scoped3A = tpu.sem_alloc : memref<!tpu.dma_semaphore, #tpu.memory_space<semaphore_mem>>
      tpu.enqueue_dma source(%arg5 : memref<24x16xf32, #tpu.memory_space<hbm>>) target(%arg9 : memref<24x16xf32, #tpu.memory_space<vmem>>) target_semaphore(%run_scoped3A : memref<!tpu.dma_semaphore, #tpu.memory_space<semaphore_mem>>)
      tpu.wait_dma2 semaphore(%run_scoped3A : memref<!tpu.dma_semaphore, #tpu.memory_space<semaphore_mem>>) src(%arg5 : memref<24x16xf32, #tpu.memory_space<hbm>>) dst(%arg9 : memref<24x16xf32, #tpu.memory_space<vmem>>)
      tpu.yield
    }) : () -> ()
    %scan3A = arith.constant 0 : i32
    %scan3A_3 = arith.constant 4 : i32
    %scan3A_4 = arith.addi %scan3A, %scan3A_3 : i32
    %scan3A_5 = arith.constant 1 : i32
    scf.for %scan3A_7 = %scan3A to %scan3A_4 step %scan3A_5  : i32 {
      %mul3A_8 = arith.constant 1 : i32
      %mul3A_9 = arith.muli %scan3A_7, %mul3A_8 : i32
      %add3A_10 = arith.constant 0 : i32
      %add3A_11 = arith.addi %add3A_10, %mul3A_9 : i32
      %mul3A_12 = arith.constant 32 : i32
      %mul3A_13 = arith.muli %add3A_11, %mul3A_12 : i32
      %add3A_14 = arith.addi %mul3A_2, %mul3A_13 : i32
      "tpu.region"() ({
        %run_scoped3A = tpu.sem_alloc : memref<!tpu.dma_semaphore, #tpu.memory_space<semaphore_mem>>
        %dma_start3A_67 = arith.constant 0 : i32
        %dma_start3A_68 = tpu.memref_slice %arg2[%add3A_14, %dma_start3A_67] : memref<4096x200xi32, #tpu.memory_space<hbm>> -> memref<32x200xi32, #tpu.memory_space<hbm>>
        %dma_start3A_69 = arith.constant 0 : i32
        %dma_start3A_70 = tpu.memref_slice %arg2[%add3A_14, %dma_start3A_69] : memref<4096x200xi32, #tpu.memory_space<hbm>> -> memref<32x200xi32, #tpu.memory_space<hbm>>
        tpu.enqueue_dma source(%dma_start3A_70 : memref<32x200xi32, #tpu.memory_space<hbm>>) target(%arg7 : memref<32x200xi32, #tpu.memory_space<vmem>>) target_semaphore(%run_scoped3A : memref<!tpu.dma_semaphore, #tpu.memory_space<semaphore_mem>>)
        %dma_wait3A = arith.constant 0 : i32
        %dma_wait3A_71 = tpu.memref_slice %arg2[%add3A_14, %dma_wait3A] : memref<4096x200xi32, #tpu.memory_space<hbm>> -> memref<32x200xi32, #tpu.memory_space<hbm>>
        %dma_wait3A_72 = arith.constant 0 : i32
        %dma_wait3A_73 = tpu.memref_slice %arg2[%add3A_14, %dma_wait3A_72] : memref<4096x200xi32, #tpu.memory_space<hbm>> -> memref<32x200xi32, #tpu.memory_space<hbm>>
        tpu.wait_dma2 semaphore(%run_scoped3A : memref<!tpu.dma_semaphore, #tpu.memory_space<semaphore_mem>>) src(%dma_wait3A_73 : memref<32x200xi32, #tpu.memory_space<hbm>>) dst(%arg7 : memref<32x200xi32, #tpu.memory_space<vmem>>)
        tpu.yield
      }) : () -> ()
      "tpu.region"() ({
        %run_scoped3A = tpu.sem_alloc : memref<!tpu.dma_semaphore, #tpu.memory_space<semaphore_mem>>
        %dma_start3A_67 = arith.constant 0 : i32
        %dma_start3A_68 = tpu.memref_slice %arg3[%add3A_14, %dma_start3A_67] : memref<4096x200xi32, #tpu.memory_space<hbm>> -> memref<32x200xi32, #tpu.memory_space<hbm>>
        %dma_start3A_69 = arith.constant 0 : i32
        %dma_start3A_70 = tpu.memref_slice %arg3[%add3A_14, %dma_start3A_69] : memref<4096x200xi32, #tpu.memory_space<hbm>> -> memref<32x200xi32, #tpu.memory_space<hbm>>
        tpu.enqueue_dma source(%dma_start3A_70 : memref<32x200xi32, #tpu.memory_space<hbm>>) target(%arg8 : memref<32x200xi32, #tpu.memory_space<vmem>>) target_semaphore(%run_scoped3A : memref<!tpu.dma_semaphore, #tpu.memory_space<semaphore_mem>>)
        %dma_wait3A = arith.constant 0 : i32
        %dma_wait3A_71 = tpu.memref_slice %arg3[%add3A_14, %dma_wait3A] : memref<4096x200xi32, #tpu.memory_space<hbm>> -> memref<32x200xi32, #tpu.memory_space<hbm>>
        %dma_wait3A_72 = arith.constant 0 : i32
        %dma_wait3A_73 = tpu.memref_slice %arg3[%add3A_14, %dma_wait3A_72] : memref<4096x200xi32, #tpu.memory_space<hbm>> -> memref<32x200xi32, #tpu.memory_space<hbm>>
        tpu.wait_dma2 semaphore(%run_scoped3A : memref<!tpu.dma_semaphore, #tpu.memory_space<semaphore_mem>>) src(%dma_wait3A_73 : memref<32x200xi32, #tpu.memory_space<hbm>>) dst(%arg8 : memref<32x200xi32, #tpu.memory_space<vmem>>)
        tpu.yield
      }) : () -> ()
      %dma_start3A = arith.constant 0 : i32
      %dma_start3A_15 = arith.constant 0 : i32
      %dma_start3A_16 = arith.constant 0 : i32
      %dma_start3A_17 = arith.constant 0 : i32
      %dma_start3A_18 = tpu.memref_slice %arg10[%dma_start3A_15, %dma_start3A_16, %dma_start3A_17] : memref<2x200x128xf32, #tpu.memory_space<vmem>> -> memref<1x128x128xf32, #tpu.memory_space<vmem>>
      %dma_start3A_19 = tpu.memref_squeeze %dma_start3A_18 : memref<1x128x128xf32, #tpu.memory_space<vmem>> -> memref<128x128xf32, #tpu.memory_space<vmem>>
      %dma_start3A_20 = arith.constant 0 : i32
      %dma_start3A_21 = tpu.memref_slice %arg7[%dma_start3A, %dma_start3A_20] : memref<32x200xi32, #tpu.memory_space<vmem>> -> memref<1x128xi32, #tpu.memory_space<vmem>>
      %dma_start3A_22 = tpu.memref_squeeze %dma_start3A_21 : memref<1x128xi32, #tpu.memory_space<vmem>> -> memref<128xi32, #tpu.memory_space<vmem>>
      %dma_start3A_23 = arith.constant 0 : i32
      %dma_start3A_24 = arith.constant 0 : i32
      %dma_start3A_25 = tpu.memref_slice %arg4[%dma_start3A_23, %dma_start3A_24] : memref<1002x128xf32, #tpu.memory_space<hbm>> -> memref<1002x128xf32, #tpu.memory_space<hbm>>
      tpu.enqueue_indirect_dma source(%dma_start3A_25 : memref<1002x128xf32, #tpu.memory_space<hbm>>) target(%dma_start3A_19 : memref<128x128xf32, #tpu.memory_space<vmem>>) offsets(%dma_start3A_22 : memref<128xi32, #tpu.memory_space<vmem>>) semaphore(%arg12 : memref<!tpu.dma_semaphore, #tpu.memory_space<semaphore_mem>>)
      %dma_start3A_26 = arith.constant 0 : i32
      %dma_start3A_27 = arith.constant 0 : i32
      %dma_start3A_28 = arith.constant 128 : i32
      %dma_start3A_29 = arith.constant 0 : i32
      %dma_start3A_30 = tpu.memref_slice %arg10[%dma_start3A_27, %dma_start3A_28, %dma_start3A_29] : memref<2x200x128xf32, #tpu.memory_space<vmem>> -> memref<1x72x128xf32, #tpu.memory_space<vmem>>
      %dma_start3A_31 = tpu.memref_squeeze %dma_start3A_30 : memref<1x72x128xf32, #tpu.memory_space<vmem>> -> memref<72x128xf32, #tpu.memory_space<vmem>>
      %dma_start3A_32 = arith.constant 128 : i32
      %dma_start3A_33 = tpu.memref_slice %arg7[%dma_start3A_26, %dma_start3A_32] : memref<32x200xi32, #tpu.memory_space<vmem>> -> memref<1x72xi32, #tpu.memory_space<vmem>>
      %dma_start3A_34 = tpu.memref_squeeze %dma_start3A_33 : memref<1x72xi32, #tpu.memory_space<vmem>> -> memref<72xi32, #tpu.memory_space<vmem>>
      %dma_start3A_35 = arith.constant 0 : i32
      %dma_start3A_36 = arith.constant 0 : i32
      %dma_start3A_37 = tpu.memref_slice %arg4[%dma_start3A_35, %dma_start3A_36] : memref<1002x128xf32, #tpu.memory_space<hbm>> -> memref<1002x128xf32, #tpu.memory_space<hbm>>
      tpu.enqueue_indirect_dma source(%dma_start3A_37 : memref<1002x128xf32, #tpu.memory_space<hbm>>) target(%dma_start3A_31 : memref<72x128xf32, #tpu.memory_space<vmem>>) offsets(%dma_start3A_34 : memref<72xi32, #tpu.memory_space<vmem>>) semaphore(%arg12 : memref<!tpu.dma_semaphore, #tpu.memory_space<semaphore_mem>>)
      %dma_start3A_38 = arith.constant 1 : i32
      %dma_start3A_39 = arith.constant 1 : i32
      %dma_start3A_40 = arith.constant 0 : i32
      %dma_start3A_41 = arith.constant 0 : i32
      %dma_start3A_42 = tpu.memref_slice %arg10[%dma_start3A_39, %dma_start3A_40, %dma_start3A_41] : memref<2x200x128xf32, #tpu.memory_space<vmem>> -> memref<1x128x128xf32, #tpu.memory_space<vmem>>
      %dma_start3A_43 = tpu.memref_squeeze %dma_start3A_42 : memref<1x128x128xf32, #tpu.memory_space<vmem>> -> memref<128x128xf32, #tpu.memory_space<vmem>>
      %dma_start3A_44 = arith.constant 0 : i32
      %dma_start3A_45 = tpu.memref_slice %arg7[%dma_start3A_38, %dma_start3A_44] : memref<32x200xi32, #tpu.memory_space<vmem>> -> memref<1x128xi32, #tpu.memory_space<vmem>>
      %dma_start3A_46 = tpu.memref_squeeze %dma_start3A_45 : memref<1x128xi32, #tpu.memory_space<vmem>> -> memref<128xi32, #tpu.memory_space<vmem>>
      %dma_start3A_47 = arith.constant 0 : i32
      %dma_start3A_48 = arith.constant 0 : i32
      %dma_start3A_49 = tpu.memref_slice %arg4[%dma_start3A_47, %dma_start3A_48] : memref<1002x128xf32, #tpu.memory_space<hbm>> -> memref<1002x128xf32, #tpu.memory_space<hbm>>
      tpu.enqueue_indirect_dma source(%dma_start3A_49 : memref<1002x128xf32, #tpu.memory_space<hbm>>) target(%dma_start3A_43 : memref<128x128xf32, #tpu.memory_space<vmem>>) offsets(%dma_start3A_46 : memref<128xi32, #tpu.memory_space<vmem>>) semaphore(%arg13 : memref<!tpu.dma_semaphore, #tpu.memory_space<semaphore_mem>>)
      %dma_start3A_50 = arith.constant 1 : i32
      %dma_start3A_51 = arith.constant 1 : i32
      %dma_start3A_52 = arith.constant 128 : i32
      %dma_start3A_53 = arith.constant 0 : i32
      %dma_start3A_54 = tpu.memref_slice %arg10[%dma_start3A_51, %dma_start3A_52, %dma_start3A_53] : memref<2x200x128xf32, #tpu.memory_space<vmem>> -> memref<1x72x128xf32, #tpu.memory_space<vmem>>
      %dma_start3A_55 = tpu.memref_squeeze %dma_start3A_54 : memref<1x72x128xf32, #tpu.memory_space<vmem>> -> memref<72x128xf32, #tpu.memory_space<vmem>>
      %dma_start3A_56 = arith.constant 128 : i32
      %dma_start3A_57 = tpu.memref_slice %arg7[%dma_start3A_50, %dma_start3A_56] : memref<32x200xi32, #tpu.memory_space<vmem>> -> memref<1x72xi32, #tpu.memory_space<vmem>>
      %dma_start3A_58 = tpu.memref_squeeze %dma_start3A_57 : memref<1x72xi32, #tpu.memory_space<vmem>> -> memref<72xi32, #tpu.memory_space<vmem>>
      %dma_start3A_59 = arith.constant 0 : i32
      %dma_start3A_60 = arith.constant 0 : i32
      %dma_start3A_61 = tpu.memref_slice %arg4[%dma_start3A_59, %dma_start3A_60] : memref<1002x128xf32, #tpu.memory_space<hbm>> -> memref<1002x128xf32, #tpu.memory_space<hbm>>
      tpu.enqueue_indirect_dma source(%dma_start3A_61 : memref<1002x128xf32, #tpu.memory_space<hbm>>) target(%dma_start3A_55 : memref<72x128xf32, #tpu.memory_space<vmem>>) offsets(%dma_start3A_58 : memref<72xi32, #tpu.memory_space<vmem>>) semaphore(%arg13 : memref<!tpu.dma_semaphore, #tpu.memory_space<semaphore_mem>>)
      %scan3A_62 = arith.constant 0 : i32
      %scan3A_63 = arith.constant 16 : i32
      %scan3A_64 = arith.addi %scan3A_62, %scan3A_63 : i32
      %scan3A_65 = arith.constant 1 : i32
      scf.for %scan3A_67 = %scan3A_62 to %scan3A_64 step %scan3A_65  : i32 {
        %mul3A_68 = arith.constant 2 : i32
        %mul3A_69 = arith.muli %scan3A_67, %mul3A_68 : i32
        %add3A_70 = arith.constant 0 : i32
        %add3A_71 = arith.addi %add3A_70, %mul3A_69 : i32
        %add3A_72 = arith.constant 0 : i32
        %add3A_73 = arith.addi %add3A_71, %add3A_72 : i32
        %scan3A_74 = arith.constant 0 : i32
        %scan3A_75 = arith.constant 12 : i32
        %scan3A_76 = arith.addi %scan3A_74, %scan3A_75 : i32
        %scan3A_77 = arith.constant 1 : i32
        scf.for %scan3A_446 = %scan3A_74 to %scan3A_76 step %scan3A_77  : i32 {
          %mul3A_447 = arith.constant 16 : i32
          %mul3A_448 = arith.muli %scan3A_446, %mul3A_447 : i32
          %add3A_449 = arith.constant 0 : i32
          %add3A_450 = arith.addi %add3A_449, %mul3A_448 : i32
          %get3A_451 = arith.index_cast %add3A_73 : i32 to index
          %get3A_452 = arith.index_cast %add3A_450 : i32 to index
          %get3A_453 = tpu.vector_load %arg8[%get3A_451, %get3A_452] {strides = array<i32>} : memref<32x200xi32, #tpu.memory_space<vmem>>, vector<16xi32>,
          %slice3A_454 = vector.extract_strided_slice %get3A_453 {offsets = [0], sizes = [1], strides = [1]} : vector<16xi32> to vector<1xi32>
          %squeeze3A_455 = vector.extract %slice3A_454[0] : i32 from vector<1xi32>
          %broadcast_in_dim3A_456 = vector.broadcast %squeeze3A_455 : i32 to vector<16xi32>
          %gather3A_457 = tpu.vector_load_idx %arg9[%broadcast_in_dim3A_456, %iota3A] : memref<24x16xf32, #tpu.memory_space<vmem>>[vector<16xi32>, vector<16xi32>], vector<16xf32>,
          %add3A_458 = arith.constant 0 : i32
          %add3A_459 = arith.addi %add3A_450, %add3A_458 : i32
          %swap3A_460 = arith.constant 0 : i32
          %swap3A_461 = arith.index_cast %swap3A_460 : i32 to index
          %swap3A_462 = arith.index_cast %add3A_459 : i32 to index
          %swap3A_463 = arith.constant 0 : index
          %swap3A_464 = tpu.vector_load %arg11[%swap3A_461, %swap3A_462, %swap3A_463] {strides = array<i32>} : memref<2x200x16xf32, #tpu.memory_space<vmem>>, vector<16xf32>,
          tpu.vector_store %arg11[%swap3A_461, %swap3A_462, %swap3A_463], %gather3A_457 {strides = array<i32>} : memref<2x200x16xf32, #tpu.memory_space<vmem>>, vector<16xf32>,
          %slice3A_465 = vector.extract_strided_slice %get3A_453 {offsets = [1], sizes = [1], strides = [1]} : vector<16xi32> to vector<1xi32>
          %squeeze3A_466 = vector.extract %slice3A_465[0] : i32 from vector<1xi32>
          %broadcast_in_dim3A_467 = vector.broadcast %squeeze3A_466 : i32 to vector<16xi32>
          %gather3A_468 = tpu.vector_load_idx %arg9[%broadcast_in_dim3A_467, %iota3A] : memref<24x16xf32, #tpu.memory_space<vmem>>[vector<16xi32>, vector<16xi32>], vector<16xf32>,
          %add3A_469 = arith.constant 1 : i32
          %add3A_470 = arith.addi %add3A_450, %add3A_469 : i32
          %swap3A_471 = arith.constant 0 : i32
          %swap3A_472 = arith.index_cast %swap3A_471 : i32 to index
          %swap3A_473 = arith.index_cast %add3A_470 : i32 to index
          %swap3A_474 = arith.constant 0 : index
          %swap3A_475 = tpu.vector_load %arg11[%swap3A_472, %swap3A_473, %swap3A_474] {strides = array<i32>} : memref<2x200x16xf32, #tpu.memory_space<vmem>>, vector<16xf32>,
          tpu.vector_store %arg11[%swap3A_472, %swap3A_473, %swap3A_474], %gather3A_468 {strides = array<i32>} : memref<2x200x16xf32, #tpu.memory_space<vmem>>, vector<16xf32>,
          %slice3A_476 = vector.extract_strided_slice %get3A_453 {offsets = [2], sizes = [1], strides = [1]} : vector<16xi32> to vector<1xi32>
          %squeeze3A_477 = vector.extract %slice3A_476[0] : i32 from vector<1xi32>
          %broadcast_in_dim3A_478 = vector.broadcast %squeeze3A_477 : i32 to vector<16xi32>
          %gather3A_479 = tpu.vector_load_idx %arg9[%broadcast_in_dim3A_478, %iota3A] : memref<24x16xf32, #tpu.memory_space<vmem>>[vector<16xi32>, vector<16xi32>], vector<16xf32>,
          %add3A_480 = arith.constant 2 : i32
          %add3A_481 = arith.addi %add3A_450, %add3A_480 : i32
          %swap3A_482 = arith.constant 0 : i32
          %swap3A_483 = arith.index_cast %swap3A_482 : i32 to index
          %swap3A_484 = arith.index_cast %add3A_481 : i32 to index
          %swap3A_485 = arith.constant 0 : index
          %swap3A_486 = tpu.vector_load %arg11[%swap3A_483, %swap3A_484, %swap3A_485] {strides = array<i32>} : memref<2x200x16xf32, #tpu.memory_space<vmem>>, vector<16xf32>,
          tpu.vector_store %arg11[%swap3A_483, %swap3A_484, %swap3A_485], %gather3A_479 {strides = array<i32>} : memref<2x200x16xf32, #tpu.memory_space<vmem>>, vector<16xf32>,
          %slice3A_487 = vector.extract_strided_slice %get3A_453 {offsets = [3], sizes = [1], strides = [1]} : vector<16xi32> to vector<1xi32>
          %squeeze3A_488 = vector.extract %slice3A_487[0] : i32 from vector<1xi32>
          %broadcast_in_dim3A_489 = vector.broadcast %squeeze3A_488 : i32 to vector<16xi32>
          %gather3A_490 = tpu.vector_load_idx %arg9[%broadcast_in_dim3A_489, %iota3A] : memref<24x16xf32, #tpu.memory_space<vmem>>[vector<16xi32>, vector<16xi32>], vector<16xf32>,
          %add3A_491 = arith.constant 3 : i32
          %add3A_492 = arith.addi %add3A_450, %add3A_491 : i32
          %swap3A_493 = arith.constant 0 : i32
          %swap3A_494 = arith.index_cast %swap3A_493 : i32 to index
          %swap3A_495 = arith.index_cast %add3A_492 : i32 to index
          %swap3A_496 = arith.constant 0 : index
          %swap3A_497 = tpu.vector_load %arg11[%swap3A_494, %swap3A_495, %swap3A_496] {strides = array<i32>} : memref<2x200x16xf32, #tpu.memory_space<vmem>>, vector<16xf32>,
          tpu.vector_store %arg11[%swap3A_494, %swap3A_495, %swap3A_496], %gather3A_490 {strides = array<i32>} : memref<2x200x16xf32, #tpu.memory_space<vmem>>, vector<16xf32>,
          %slice3A_498 = vector.extract_strided_slice %get3A_453 {offsets = [4], sizes = [1], strides = [1]} : vector<16xi32> to vector<1xi32>
          %squeeze3A_499 = vector.extract %slice3A_498[0] : i32 from vector<1xi32>
          %broadcast_in_dim3A_500 = vector.broadcast %squeeze3A_499 : i32 to vector<16xi32>
          %gather3A_501 = tpu.vector_load_idx %arg9[%broadcast_in_dim3A_500, %iota3A] : memref<24x16xf32, #tpu.memory_space<vmem>>[vector<16xi32>, vector<16xi32>], vector<16xf32>,
          %add3A_502 = arith.constant 4 : i32
          %add3A_503 = arith.addi %add3A_450, %add3A_502 : i32
          %swap3A_504 = arith.constant 0 : i32
          %swap3A_505 = arith.index_cast %swap3A_504 : i32 to index
          %swap3A_506 = arith.index_cast %add3A_503 : i32 to index
          %swap3A_507 = arith.constant 0 : index
          %swap3A_508 = tpu.vector_load %arg11[%swap3A_505, %swap3A_506, %swap3A_507] {strides = array<i32>} : memref<2x200x16xf32, #tpu.memory_space<vmem>>, vector<16xf32>,
          tpu.vector_store %arg11[%swap3A_505, %swap3A_506, %swap3A_507], %gather3A_501 {strides = array<i32>} : memref<2x200x16xf32, #tpu.memory_space<vmem>>, vector<16xf32>,
          %slice3A_509 = vector.extract_strided_slice %get3A_453 {offsets = [5], sizes = [1], strides = [1]} : vector<16xi32> to vector<1xi32>
          %squeeze3A_510 = vector.extract %slice3A_509[0] : i32 from vector<1xi32>
          %broadcast_in_dim3A_511 = vector.broadcast %squeeze3A_510 : i32 to vector<16xi32>
          %gather3A_512 = tpu.vector_load_idx %arg9[%broadcast_in_dim3A_511, %iota3A] : memref<24x16xf32, #tpu.memory_space<vmem>>[vector<16xi32>, vector<16xi32>], vector<16xf32>,
          %add3A_513 = arith.constant 5 : i32
          %add3A_514 = arith.addi %add3A_450, %add3A_513 : i32
          %swap3A_515 = arith.constant 0 : i32
          %swap3A_516 = arith.index_cast %swap3A_515 : i32 to index
          %swap3A_517 = arith.index_cast %add3A_514 : i32 to index
          %swap3A_518 = arith.constant 0 : index
          %swap3A_519 = tpu.vector_load %arg11[%swap3A_516, %swap3A_517, %swap3A_518] {strides = array<i32>} : memref<2x200x16xf32, #tpu.memory_space<vmem>>, vector<16xf32>,
          tpu.vector_store %arg11[%swap3A_516, %swap3A_517, %swap3A_518], %gather3A_512 {strides = array<i32>} : memref<2x200x16xf32, #tpu.memory_space<vmem>>, vector<16xf32>,
          %slice3A_520 = vector.extract_strided_slice %get3A_453 {offsets = [6], sizes = [1], strides = [1]} : vector<16xi32> to vector<1xi32>
          %squeeze3A_521 = vector.extract %slice3A_520[0] : i32 from vector<1xi32>
          %broadcast_in_dim3A_522 = vector.broadcast %squeeze3A_521 : i32 to vector<16xi32>
          %gather3A_523 = tpu.vector_load_idx %arg9[%broadcast_in_dim3A_522, %iota3A] : memref<24x16xf32, #tpu.memory_space<vmem>>[vector<16xi32>, vector<16xi32>], vector<16xf32>,
          %add3A_524 = arith.constant 6 : i32
          %add3A_525 = arith.addi %add3A_450, %add3A_524 : i32
          %swap3A_526 = arith.constant 0 : i32
          %swap3A_527 = arith.index_cast %swap3A_526 : i32 to index
          %swap3A_528 = arith.index_cast %add3A_525 : i32 to index
          %swap3A_529 = arith.constant 0 : index
          %swap3A_530 = tpu.vector_load %arg11[%swap3A_527, %swap3A_528, %swap3A_529] {strides = array<i32>} : memref<2x200x16xf32, #tpu.memory_space<vmem>>, vector<16xf32>,
          tpu.vector_store %arg11[%swap3A_527, %swap3A_528, %swap3A_529], %gather3A_523 {strides = array<i32>} : memref<2x200x16xf32, #tpu.memory_space<vmem>>, vector<16xf32>,
          %slice3A_531 = vector.extract_strided_slice %get3A_453 {offsets = [7], sizes = [1], strides = [1]} : vector<16xi32> to vector<1xi32>
          %squeeze3A_532 = vector.extract %slice3A_531[0] : i32 from vector<1xi32>
          %broadcast_in_dim3A_533 = vector.broadcast %squeeze3A_532 : i32 to vector<16xi32>
          %gather3A_534 = tpu.vector_load_idx %arg9[%broadcast_in_dim3A_533, %iota3A] : memref<24x16xf32, #tpu.memory_space<vmem>>[vector<16xi32>, vector<16xi32>], vector<16xf32>,
          %add3A_535 = arith.constant 7 : i32
          %add3A_536 = arith.addi %add3A_450, %add3A_535 : i32
          %swap3A_537 = arith.constant 0 : i32
          %swap3A_538 = arith.index_cast %swap3A_537 : i32 to index
          %swap3A_539 = arith.index_cast %add3A_536 : i32 to index
          %swap3A_540 = arith.constant 0 : index
          %swap3A_541 = tpu.vector_load %arg11[%swap3A_538, %swap3A_539, %swap3A_540] {strides = array<i32>} : memref<2x200x16xf32, #tpu.memory_space<vmem>>, vector<16xf32>,
          tpu.vector_store %arg11[%swap3A_538, %swap3A_539, %swap3A_540], %gather3A_534 {strides = array<i32>} : memref<2x200x16xf32, #tpu.memory_space<vmem>>, vector<16xf32>,
          %slice3A_542 = vector.extract_strided_slice %get3A_453 {offsets = [8], sizes = [1], strides = [1]} : vector<16xi32> to vector<1xi32>
          %squeeze3A_543 = vector.extract %slice3A_542[0] : i32 from vector<1xi32>
          %broadcast_in_dim3A_544 = vector.broadcast %squeeze3A_543 : i32 to vector<16xi32>
          %gather3A_545 = tpu.vector_load_idx %arg9[%broadcast_in_dim3A_544, %iota3A] : memref<24x16xf32, #tpu.memory_space<vmem>>[vector<16xi32>, vector<16xi32>], vector<16xf32>,
          %add3A_546 = arith.constant 8 : i32
          %add3A_547 = arith.addi %add3A_450, %add3A_546 : i32
          %swap3A_548 = arith.constant 0 : i32
          %swap3A_549 = arith.index_cast %swap3A_548 : i32 to index
          %swap3A_550 = arith.index_cast %add3A_547 : i32 to index
          %swap3A_551 = arith.constant 0 : index
          %swap3A_552 = tpu.vector_load %arg11[%swap3A_549, %swap3A_550, %swap3A_551] {strides = array<i32>} : memref<2x200x16xf32, #tpu.memory_space<vmem>>, vector<16xf32>,
          tpu.vector_store %arg11[%swap3A_549, %swap3A_550, %swap3A_551], %gather3A_545 {strides = array<i32>} : memref<2x200x16xf32, #tpu.memory_space<vmem>>, vector<16xf32>,
          %slice3A_553 = vector.extract_strided_slice %get3A_453 {offsets = [9], sizes = [1], strides = [1]} : vector<16xi32> to vector<1xi32>
          %squeeze3A_554 = vector.extract %slice3A_553[0] : i32 from vector<1xi32>
          %broadcast_in_dim3A_555 = vector.broadcast %squeeze3A_554 : i32 to vector<16xi32>
          %gather3A_556 = tpu.vector_load_idx %arg9[%broadcast_in_dim3A_555, %iota3A] : memref<24x16xf32, #tpu.memory_space<vmem>>[vector<16xi32>, vector<16xi32>], vector<16xf32>,
          %add3A_557 = arith.constant 9 : i32
          %add3A_558 = arith.addi %add3A_450, %add3A_557 : i32
          %swap3A_559 = arith.constant 0 : i32
          %swap3A_560 = arith.index_cast %swap3A_559 : i32 to index
          %swap3A_561 = arith.index_cast %add3A_558 : i32 to index
          %swap3A_562 = arith.constant 0 : index
          %swap3A_563 = tpu.vector_load %arg11[%swap3A_560, %swap3A_561, %swap3A_562] {strides = array<i32>} : memref<2x200x16xf32, #tpu.memory_space<vmem>>, vector<16xf32>,
          tpu.vector_store %arg11[%swap3A_560, %swap3A_561, %swap3A_562], %gather3A_556 {strides = array<i32>} : memref<2x200x16xf32, #tpu.memory_space<vmem>>, vector<16xf32>,
          %slice3A_564 = vector.extract_strided_slice %get3A_453 {offsets = [10], sizes = [1], strides = [1]} : vector<16xi32> to vector<1xi32>
          %squeeze3A_565 = vector.extract %slice3A_564[0] : i32 from vector<1xi32>
          %broadcast_in_dim3A_566 = vector.broadcast %squeeze3A_565 : i32 to vector<16xi32>
          %gather3A_567 = tpu.vector_load_idx %arg9[%broadcast_in_dim3A_566, %iota3A] : memref<24x16xf32, #tpu.memory_space<vmem>>[vector<16xi32>, vector<16xi32>], vector<16xf32>,
          %add3A_568 = arith.constant 10 : i32
          %add3A_569 = arith.addi %add3A_450, %add3A_568 : i32
          %swap3A_570 = arith.constant 0 : i32
          %swap3A_571 = arith.index_cast %swap3A_570 : i32 to index
          %swap3A_572 = arith.index_cast %add3A_569 : i32 to index
          %swap3A_573 = arith.constant 0 : index
          %swap3A_574 = tpu.vector_load %arg11[%swap3A_571, %swap3A_572, %swap3A_573] {strides = array<i32>} : memref<2x200x16xf32, #tpu.memory_space<vmem>>, vector<16xf32>,
          tpu.vector_store %arg11[%swap3A_571, %swap3A_572, %swap3A_573], %gather3A_567 {strides = array<i32>} : memref<2x200x16xf32, #tpu.memory_space<vmem>>, vector<16xf32>,
          %slice3A_575 = vector.extract_strided_slice %get3A_453 {offsets = [11], sizes = [1], strides = [1]} : vector<16xi32> to vector<1xi32>
          %squeeze3A_576 = vector.extract %slice3A_575[0] : i32 from vector<1xi32>
          %broadcast_in_dim3A_577 = vector.broadcast %squeeze3A_576 : i32 to vector<16xi32>
          %gather3A_578 = tpu.vector_load_idx %arg9[%broadcast_in_dim3A_577, %iota3A] : memref<24x16xf32, #tpu.memory_space<vmem>>[vector<16xi32>, vector<16xi32>], vector<16xf32>,
          %add3A_579 = arith.constant 11 : i32
          %add3A_580 = arith.addi %add3A_450, %add3A_579 : i32
          %swap3A_581 = arith.constant 0 : i32
          %swap3A_582 = arith.index_cast %swap3A_581 : i32 to index
          %swap3A_583 = arith.index_cast %add3A_580 : i32 to index
          %swap3A_584 = arith.constant 0 : index
          %swap3A_585 = tpu.vector_load %arg11[%swap3A_582, %swap3A_583, %swap3A_584] {strides = array<i32>} : memref<2x200x16xf32, #tpu.memory_space<vmem>>, vector<16xf32>,
          tpu.vector_store %arg11[%swap3A_582, %swap3A_583, %swap3A_584], %gather3A_578 {strides = array<i32>} : memref<2x200x16xf32, #tpu.memory_space<vmem>>, vector<16xf32>,
          %slice3A_586 = vector.extract_strided_slice %get3A_453 {offsets = [12], sizes = [1], strides = [1]} : vector<16xi32> to vector<1xi32>
          %squeeze3A_587 = vector.extract %slice3A_586[0] : i32 from vector<1xi32>
          %broadcast_in_dim3A_588 = vector.broadcast %squeeze3A_587 : i32 to vector<16xi32>
          %gather3A_589 = tpu.vector_load_idx %arg9[%broadcast_in_dim3A_588, %iota3A] : memref<24x16xf32, #tpu.memory_space<vmem>>[vector<16xi32>, vector<16xi32>], vector<16xf32>,
          %add3A_590 = arith.constant 12 : i32
          %add3A_591 = arith.addi %add3A_450, %add3A_590 : i32
          %swap3A_592 = arith.constant 0 : i32
          %swap3A_593 = arith.index_cast %swap3A_592 : i32 to index
          %swap3A_594 = arith.index_cast %add3A_591 : i32 to index
          %swap3A_595 = arith.constant 0 : index
          %swap3A_596 = tpu.vector_load %arg11[%swap3A_593, %swap3A_594, %swap3A_595] {strides = array<i32>} : memref<2x200x16xf32, #tpu.memory_space<vmem>>, vector<16xf32>,
          tpu.vector_store %arg11[%swap3A_593, %swap3A_594, %swap3A_595], %gather3A_589 {strides = array<i32>} : memref<2x200x16xf32, #tpu.memory_space<vmem>>, vector<16xf32>,
          %slice3A_597 = vector.extract_strided_slice %get3A_453 {offsets = [13], sizes = [1], strides = [1]} : vector<16xi32> to vector<1xi32>
          %squeeze3A_598 = vector.extract %slice3A_597[0] : i32 from vector<1xi32>
          %broadcast_in_dim3A_599 = vector.broadcast %squeeze3A_598 : i32 to vector<16xi32>
          %gather3A_600 = tpu.vector_load_idx %arg9[%broadcast_in_dim3A_599, %iota3A] : memref<24x16xf32, #tpu.memory_space<vmem>>[vector<16xi32>, vector<16xi32>], vector<16xf32>,
          %add3A_601 = arith.constant 13 : i32
          %add3A_602 = arith.addi %add3A_450, %add3A_601 : i32
          %swap3A_603 = arith.constant 0 : i32
          %swap3A_604 = arith.index_cast %swap3A_603 : i32 to index
          %swap3A_605 = arith.index_cast %add3A_602 : i32 to index
          %swap3A_606 = arith.constant 0 : index
          %swap3A_607 = tpu.vector_load %arg11[%swap3A_604, %swap3A_605, %swap3A_606] {strides = array<i32>} : memref<2x200x16xf32, #tpu.memory_space<vmem>>, vector<16xf32>,
          tpu.vector_store %arg11[%swap3A_604, %swap3A_605, %swap3A_606], %gather3A_600 {strides = array<i32>} : memref<2x200x16xf32, #tpu.memory_space<vmem>>, vector<16xf32>,
          %slice3A_608 = vector.extract_strided_slice %get3A_453 {offsets = [14], sizes = [1], strides = [1]} : vector<16xi32> to vector<1xi32>
          %squeeze3A_609 = vector.extract %slice3A_608[0] : i32 from vector<1xi32>
          %broadcast_in_dim3A_610 = vector.broadcast %squeeze3A_609 : i32 to vector<16xi32>
          %gather3A_611 = tpu.vector_load_idx %arg9[%broadcast_in_dim3A_610, %iota3A] : memref<24x16xf32, #tpu.memory_space<vmem>>[vector<16xi32>, vector<16xi32>], vector<16xf32>,
          %add3A_612 = arith.constant 14 : i32
          %add3A_613 = arith.addi %add3A_450, %add3A_612 : i32
          %swap3A_614 = arith.constant 0 : i32
          %swap3A_615 = arith.index_cast %swap3A_614 : i32 to index
          %swap3A_616 = arith.index_cast %add3A_613 : i32 to index
          %swap3A_617 = arith.constant 0 : index
          %swap3A_618 = tpu.vector_load %arg11[%swap3A_615, %swap3A_616, %swap3A_617] {strides = array<i32>} : memref<2x200x16xf32, #tpu.memory_space<vmem>>, vector<16xf32>,
          tpu.vector_store %arg11[%swap3A_615, %swap3A_616, %swap3A_617], %gather3A_611 {strides = array<i32>} : memref<2x200x16xf32, #tpu.memory_space<vmem>>, vector<16xf32>,
          %slice3A_619 = vector.extract_strided_slice %get3A_453 {offsets = [15], sizes = [1], strides = [1]} : vector<16xi32> to vector<1xi32>
          %squeeze3A_620 = vector.extract %slice3A_619[0] : i32 from vector<1xi32>
          %broadcast_in_dim3A_621 = vector.broadcast %squeeze3A_620 : i32 to vector<16xi32>
          %gather3A_622 = tpu.vector_load_idx %arg9[%broadcast_in_dim3A_621, %iota3A] : memref<24x16xf32, #tpu.memory_space<vmem>>[vector<16xi32>, vector<16xi32>], vector<16xf32>,
          %add3A_623 = arith.constant 15 : i32
          %add3A_624 = arith.addi %add3A_450, %add3A_623 : i32
          %swap3A_625 = arith.constant 0 : i32
          %swap3A_626 = arith.index_cast %swap3A_625 : i32 to index
          %swap3A_627 = arith.index_cast %add3A_624 : i32 to index
          %swap3A_628 = arith.constant 0 : index
          %swap3A_629 = tpu.vector_load %arg11[%swap3A_626, %swap3A_627, %swap3A_628] {strides = array<i32>} : memref<2x200x16xf32, #tpu.memory_space<vmem>>, vector<16xf32>,
          tpu.vector_store %arg11[%swap3A_626, %swap3A_627, %swap3A_628], %gather3A_622 {strides = array<i32>} : memref<2x200x16xf32, #tpu.memory_space<vmem>>, vector<16xf32>,
        }
        %scan3A_78 = arith.constant 12 : i32
        %get3A = arith.index_cast %add3A_73 : i32 to index
        %get3A_79 = arith.constant 184 : index
        %get3A_80 = tpu.vector_load %arg8[%get3A, %get3A_79] {strides = array<i32>} : memref<32x200xi32, #tpu.memory_space<vmem>>, vector<16xi32>,
        %slice3A = vector.extract_strided_slice %get3A_80 {offsets = [8], sizes = [1], strides = [1]} : vector<16xi32> to vector<1xi32>
        %squeeze3A = vector.extract %slice3A[0] : i32 from vector<1xi32>
        %broadcast_in_dim3A = vector.broadcast %squeeze3A : i32 to vector<16xi32>
        %gather3A = tpu.vector_load_idx %arg9[%broadcast_in_dim3A, %iota3A] : memref<24x16xf32, #tpu.memory_space<vmem>>[vector<16xi32>, vector<16xi32>], vector<16xf32>,
        %swap3A = arith.constant 0 : i32
        %swap3A_81 = arith.constant 192 : i32
        %swap3A_82 = arith.index_cast %swap3A : i32 to index
        %swap3A_83 = arith.index_cast %swap3A_81 : i32 to index
        %swap3A_84 = arith.constant 0 : index
        %swap3A_85 = tpu.vector_load %arg11[%swap3A_82, %swap3A_83, %swap3A_84] {strides = array<i32>} : memref<2x200x16xf32, #tpu.memory_space<vmem>>, vector<16xf32>,
        tpu.vector_store %arg11[%swap3A_82, %swap3A_83, %swap3A_84], %gather3A {strides = array<i32>} : memref<2x200x16xf32, #tpu.memory_space<vmem>>, vector<16xf32>,
        %slice3A_86 = vector.extract_strided_slice %get3A_80 {offsets = [9], sizes = [1], strides = [1]} : vector<16xi32> to vector<1xi32>
        %squeeze3A_87 = vector.extract %slice3A_86[0] : i32 from vector<1xi32>
        %broadcast_in_dim3A_88 = vector.broadcast %squeeze3A_87 : i32 to vector<16xi32>
        %gather3A_89 = tpu.vector_load_idx %arg9[%broadcast_in_dim3A_88, %iota3A] : memref<24x16xf32, #tpu.memory_space<vmem>>[vector<16xi32>, vector<16xi32>], vector<16xf32>,
        %swap3A_90 = arith.constant 0 : i32
        %swap3A_91 = arith.constant 193 : i32
        %swap3A_92 = arith.index_cast %swap3A_90 : i32 to index
        %swap3A_93 = arith.index_cast %swap3A_91 : i32 to index
        %swap3A_94 = arith.constant 0 : index
        %swap3A_95 = tpu.vector_load %arg11[%swap3A_92, %swap3A_93, %swap3A_94] {strides = array<i32>} : memref<2x200x16xf32, #tpu.memory_space<vmem>>, vector<16xf32>,
        tpu.vector_store %arg11[%swap3A_92, %swap3A_93, %swap3A_94], %gather3A_89 {strides = array<i32>} : memref<2x200x16xf32, #tpu.memory_space<vmem>>, vector<16xf32>,
        %slice3A_96 = vector.extract_strided_slice %get3A_80 {offsets = [10], sizes = [1], strides = [1]} : vector<16xi32> to vector<1xi32>
        %squeeze3A_97 = vector.extract %slice3A_96[0] : i32 from vector<1xi32>
        %broadcast_in_dim3A_98 = vector.broadcast %squeeze3A_97 : i32 to vector<16xi32>
        %gather3A_99 = tpu.vector_load_idx %arg9[%broadcast_in_dim3A_98, %iota3A] : memref<24x16xf32, #tpu.memory_space<vmem>>[vector<16xi32>, vector<16xi32>], vector<16xf32>,
        %swap3A_100 = arith.constant 0 : i32
        %swap3A_101 = arith.constant 194 : i32
        %swap3A_102 = arith.index_cast %swap3A_100 : i32 to index
        %swap3A_103 = arith.index_cast %swap3A_101 : i32 to index
        %swap3A_104 = arith.constant 0 : index
        %swap3A_105 = tpu.vector_load %arg11[%swap3A_102, %swap3A_103, %swap3A_104] {strides = array<i32>} : memref<2x200x16xf32, #tpu.memory_space<vmem>>, vector<16xf32>,
        tpu.vector_store %arg11[%swap3A_102, %swap3A_103, %swap3A_104], %gather3A_99 {strides = array<i32>} : memref<2x200x16xf32, #tpu.memory_space<vmem>>, vector<16xf32>,
        %slice3A_106 = vector.extract_strided_slice %get3A_80 {offsets = [11], sizes = [1], strides = [1]} : vector<16xi32> to vector<1xi32>
        %squeeze3A_107 = vector.extract %slice3A_106[0] : i32 from vector<1xi32>
        %broadcast_in_dim3A_108 = vector.broadcast %squeeze3A_107 : i32 to vector<16xi32>
        %gather3A_109 = tpu.vector_load_idx %arg9[%broadcast_in_dim3A_108, %iota3A] : memref<24x16xf32, #tpu.memory_space<vmem>>[vector<16xi32>, vector<16xi32>], vector<16xf32>,
        %swap3A_110 = arith.constant 0 : i32
        %swap3A_111 = arith.constant 195 : i32
        %swap3A_112 = arith.index_cast %swap3A_110 : i32 to index
        %swap3A_113 = arith.index_cast %swap3A_111 : i32 to index
        %swap3A_114 = arith.constant 0 : index
        %swap3A_115 = tpu.vector_load %arg11[%swap3A_112, %swap3A_113, %swap3A_114] {strides = array<i32>} : memref<2x200x16xf32, #tpu.memory_space<vmem>>, vector<16xf32>,
        tpu.vector_store %arg11[%swap3A_112, %swap3A_113, %swap3A_114], %gather3A_109 {strides = array<i32>} : memref<2x200x16xf32, #tpu.memory_space<vmem>>, vector<16xf32>,
        %slice3A_116 = vector.extract_strided_slice %get3A_80 {offsets = [12], sizes = [1], strides = [1]} : vector<16xi32> to vector<1xi32>
        %squeeze3A_117 = vector.extract %slice3A_116[0] : i32 from vector<1xi32>
        %broadcast_in_dim3A_118 = vector.broadcast %squeeze3A_117 : i32 to vector<16xi32>
        %gather3A_119 = tpu.vector_load_idx %arg9[%broadcast_in_dim3A_118, %iota3A] : memref<24x16xf32, #tpu.memory_space<vmem>>[vector<16xi32>, vector<16xi32>], vector<16xf32>,
        %swap3A_120 = arith.constant 0 : i32
        %swap3A_121 = arith.constant 196 : i32
        %swap3A_122 = arith.index_cast %swap3A_120 : i32 to index
        %swap3A_123 = arith.index_cast %swap3A_121 : i32 to index
        %swap3A_124 = arith.constant 0 : index
        %swap3A_125 = tpu.vector_load %arg11[%swap3A_122, %swap3A_123, %swap3A_124] {strides = array<i32>} : memref<2x200x16xf32, #tpu.memory_space<vmem>>, vector<16xf32>,
        tpu.vector_store %arg11[%swap3A_122, %swap3A_123, %swap3A_124], %gather3A_119 {strides = array<i32>} : memref<2x200x16xf32, #tpu.memory_space<vmem>>, vector<16xf32>,
        %slice3A_126 = vector.extract_strided_slice %get3A_80 {offsets = [13], sizes = [1], strides = [1]} : vector<16xi32> to vector<1xi32>
        %squeeze3A_127 = vector.extract %slice3A_126[0] : i32 from vector<1xi32>
        %broadcast_in_dim3A_128 = vector.broadcast %squeeze3A_127 : i32 to vector<16xi32>
        %gather3A_129 = tpu.vector_load_idx %arg9[%broadcast_in_dim3A_128, %iota3A] : memref<24x16xf32, #tpu.memory_space<vmem>>[vector<16xi32>, vector<16xi32>], vector<16xf32>,
        %swap3A_130 = arith.constant 0 : i32
        %swap3A_131 = arith.constant 197 : i32
        %swap3A_132 = arith.index_cast %swap3A_130 : i32 to index
        %swap3A_133 = arith.index_cast %swap3A_131 : i32 to index
        %swap3A_134 = arith.constant 0 : index
        %swap3A_135 = tpu.vector_load %arg11[%swap3A_132, %swap3A_133, %swap3A_134] {strides = array<i32>} : memref<2x200x16xf32, #tpu.memory_space<vmem>>, vector<16xf32>,
        tpu.vector_store %arg11[%swap3A_132, %swap3A_133, %swap3A_134], %gather3A_129 {strides = array<i32>} : memref<2x200x16xf32, #tpu.memory_space<vmem>>, vector<16xf32>,
        %slice3A_136 = vector.extract_strided_slice %get3A_80 {offsets = [14], sizes = [1], strides = [1]} : vector<16xi32> to vector<1xi32>
        %squeeze3A_137 = vector.extract %slice3A_136[0] : i32 from vector<1xi32>
        %broadcast_in_dim3A_138 = vector.broadcast %squeeze3A_137 : i32 to vector<16xi32>
        %gather3A_139 = tpu.vector_load_idx %arg9[%broadcast_in_dim3A_138, %iota3A] : memref<24x16xf32, #tpu.memory_space<vmem>>[vector<16xi32>, vector<16xi32>], vector<16xf32>,
        %swap3A_140 = arith.constant 0 : i32
        %swap3A_141 = arith.constant 198 : i32
        %swap3A_142 = arith.index_cast %swap3A_140 : i32 to index
        %swap3A_143 = arith.index_cast %swap3A_141 : i32 to index
        %swap3A_144 = arith.constant 0 : index
        %swap3A_145 = tpu.vector_load %arg11[%swap3A_142, %swap3A_143, %swap3A_144] {strides = array<i32>} : memref<2x200x16xf32, #tpu.memory_space<vmem>>, vector<16xf32>,
        tpu.vector_store %arg11[%swap3A_142, %swap3A_143, %swap3A_144], %gather3A_139 {strides = array<i32>} : memref<2x200x16xf32, #tpu.memory_space<vmem>>, vector<16xf32>,
        %slice3A_146 = vector.extract_strided_slice %get3A_80 {offsets = [15], sizes = [1], strides = [1]} : vector<16xi32> to vector<1xi32>
        %squeeze3A_147 = vector.extract %slice3A_146[0] : i32 from vector<1xi32>
        %broadcast_in_dim3A_148 = vector.broadcast %squeeze3A_147 : i32 to vector<16xi32>
        %gather3A_149 = tpu.vector_load_idx %arg9[%broadcast_in_dim3A_148, %iota3A] : memref<24x16xf32, #tpu.memory_space<vmem>>[vector<16xi32>, vector<16xi32>], vector<16xf32>,
        %swap3A_150 = arith.constant 0 : i32
        %swap3A_151 = arith.constant 199 : i32
        %swap3A_152 = arith.index_cast %swap3A_150 : i32 to index
        %swap3A_153 = arith.index_cast %swap3A_151 : i32 to index
        %swap3A_154 = arith.constant 0 : index
        %swap3A_155 = tpu.vector_load %arg11[%swap3A_152, %swap3A_153, %swap3A_154] {strides = array<i32>} : memref<2x200x16xf32, #tpu.memory_space<vmem>>, vector<16xf32>,
        tpu.vector_store %arg11[%swap3A_152, %swap3A_153, %swap3A_154], %gather3A_149 {strides = array<i32>} : memref<2x200x16xf32, #tpu.memory_space<vmem>>, vector<16xf32>,
        %dma_wait3A = arith.constant 0 : i32
        %dma_wait3A_156 = arith.constant 0 : i32
        %dma_wait3A_157 = arith.constant 0 : i32
        %dma_wait3A_158 = arith.constant 0 : i32
        %dma_wait3A_159 = tpu.memref_slice %arg10[%dma_wait3A_156, %dma_wait3A_157, %dma_wait3A_158] : memref<2x200x128xf32, #tpu.memory_space<vmem>> -> memref<1x128x128xf32, #tpu.memory_space<vmem>>
        %dma_wait3A_160 = tpu.memref_squeeze %dma_wait3A_159 : memref<1x128x128xf32, #tpu.memory_space<vmem>> -> memref<128x128xf32, #tpu.memory_space<vmem>>
        %dma_wait3A_161 = arith.constant 0 : i32
        %dma_wait3A_162 = tpu.memref_slice %arg7[%dma_wait3A, %dma_wait3A_161] : memref<32x200xi32, #tpu.memory_space<vmem>> -> memref<1x128xi32, #tpu.memory_space<vmem>>
        %dma_wait3A_163 = tpu.memref_squeeze %dma_wait3A_162 : memref<1x128xi32, #tpu.memory_space<vmem>> -> memref<128xi32, #tpu.memory_space<vmem>>
        %dma_wait3A_164 = arith.constant 0 : i32
        %dma_wait3A_165 = arith.constant 0 : i32
        %dma_wait3A_166 = tpu.memref_slice %arg4[%dma_wait3A_164, %dma_wait3A_165] : memref<1002x128xf32, #tpu.memory_space<hbm>> -> memref<1002x128xf32, #tpu.memory_space<hbm>>
        tpu.wait_indirect_dma semaphore(%arg12 : memref<!tpu.dma_semaphore, #tpu.memory_space<semaphore_mem>>) src(%dma_wait3A_166 : memref<1002x128xf32, #tpu.memory_space<hbm>>) dst(%dma_wait3A_160 : memref<128x128xf32, #tpu.memory_space<vmem>>)
        %dma_wait3A_167 = arith.constant 0 : i32
        %dma_wait3A_168 = arith.constant 0 : i32
        %dma_wait3A_169 = arith.constant 128 : i32
        %dma_wait3A_170 = arith.constant 0 : i32
        %dma_wait3A_171 = tpu.memref_slice %arg10[%dma_wait3A_168, %dma_wait3A_169, %dma_wait3A_170] : memref<2x200x128xf32, #tpu.memory_space<vmem>> -> memref<1x72x128xf32, #tpu.memory_space<vmem>>
        %dma_wait3A_172 = tpu.memref_squeeze %dma_wait3A_171 : memref<1x72x128xf32, #tpu.memory_space<vmem>> -> memref<72x128xf32, #tpu.memory_space<vmem>>
        %dma_wait3A_173 = arith.constant 128 : i32
        %dma_wait3A_174 = tpu.memref_slice %arg7[%dma_wait3A_167, %dma_wait3A_173] : memref<32x200xi32, #tpu.memory_space<vmem>> -> memref<1x72xi32, #tpu.memory_space<vmem>>
        %dma_wait3A_175 = tpu.memref_squeeze %dma_wait3A_174 : memref<1x72xi32, #tpu.memory_space<vmem>> -> memref<72xi32, #tpu.memory_space<vmem>>
        %dma_wait3A_176 = arith.constant 0 : i32
        %dma_wait3A_177 = arith.constant 0 : i32
        %dma_wait3A_178 = tpu.memref_slice %arg4[%dma_wait3A_176, %dma_wait3A_177] : memref<1002x128xf32, #tpu.memory_space<hbm>> -> memref<1002x128xf32, #tpu.memory_space<hbm>>
        tpu.wait_indirect_dma semaphore(%arg12 : memref<!tpu.dma_semaphore, #tpu.memory_space<semaphore_mem>>) src(%dma_wait3A_178 : memref<1002x128xf32, #tpu.memory_space<hbm>>) dst(%dma_wait3A_172 : memref<72x128xf32, #tpu.memory_space<vmem>>)
        %add3A_179 = arith.addi %add3A_14, %add3A_73 : i32
        %dma_start3A_180 = arith.constant 0 : i32
        %dma_start3A_181 = arith.constant 0 : i32
        %dma_start3A_182 = arith.constant 0 : i32
        %dma_start3A_183 = tpu.memref_slice %arg10[%dma_start3A_180, %dma_start3A_181, %dma_start3A_182] : memref<2x200x128xf32, #tpu.memory_space<vmem>> -> memref<1x200x128xf32, #tpu.memory_space<vmem>>
        %dma_start3A_184 = tpu.memref_squeeze %dma_start3A_183 : memref<1x200x128xf32, #tpu.memory_space<vmem>> -> memref<200x128xf32, #tpu.memory_space<vmem>>
        %dma_start3A_185 = arith.constant 0 : i32
        %dma_start3A_186 = arith.constant 0 : i32
        %dma_start3A_187 = tpu.memref_slice %arg6[%add3A_179, %dma_start3A_185, %dma_start3A_186] : memref<4096x200x144xf32, #tpu.memory_space<hbm>> -> memref<1x200x128xf32, #tpu.memory_space<hbm>>
        %dma_start3A_188 = tpu.memref_squeeze %dma_start3A_187 : memref<1x200x128xf32, #tpu.memory_space<hbm>> -> memref<200x128xf32, #tpu.memory_space<hbm>>
        %dma_start3A_189 = arith.constant 0 : i32
        %dma_start3A_190 = arith.constant 0 : i32
        %dma_start3A_191 = tpu.memref_slice %arg6[%add3A_179, %dma_start3A_189, %dma_start3A_190] : memref<4096x200x144xf32, #tpu.memory_space<hbm>> -> memref<1x200x128xf32, #tpu.memory_space<hbm>>
        %dma_start3A_192 = tpu.memref_squeeze %dma_start3A_191 : memref<1x200x128xf32, #tpu.memory_space<hbm>> -> memref<200x128xf32, #tpu.memory_space<hbm>>
        %dma_start3A_193 = arith.constant 0 : i32
        %dma_start3A_194 = arith.constant 0 : i32
        %dma_start3A_195 = tpu.memref_slice %arg10[%dma_start3A_180, %dma_start3A_193, %dma_start3A_194] : memref<2x200x128xf32, #tpu.memory_space<vmem>> -> memref<1x200x128xf32, #tpu.memory_space<vmem>>
        %dma_start3A_196 = tpu.memref_squeeze %dma_start3A_195 : memref<1x200x128xf32, #tpu.memory_space<vmem>> -> memref<200x128xf32, #tpu.memory_space<vmem>>
        tpu.enqueue_dma source(%dma_start3A_196 : memref<200x128xf32, #tpu.memory_space<vmem>>) target(%dma_start3A_192 : memref<200x128xf32, #tpu.memory_space<hbm>>) target_semaphore(%arg14 : memref<!tpu.dma_semaphore, #tpu.memory_space<semaphore_mem>>)
        %dma_start3A_197 = arith.constant 0 : i32
        %dma_start3A_198 = arith.constant 0 : i32
        %dma_start3A_199 = arith.constant 0 : i32
        %dma_start3A_200 = tpu.memref_slice %arg11[%dma_start3A_197, %dma_start3A_198, %dma_start3A_199] : memref<2x200x16xf32, #tpu.memory_space<vmem>> -> memref<1x200x16xf32, #tpu.memory_space<vmem>>
        %dma_start3A_201 = tpu.memref_squeeze %dma_start3A_200 : memref<1x200x16xf32, #tpu.memory_space<vmem>> -> memref<200x16xf32, #tpu.memory_space<vmem>>
        %dma_start3A_202 = arith.constant 0 : i32
        %dma_start3A_203 = arith.constant 128 : i32
        %dma_start3A_204 = tpu.memref_slice %arg6[%add3A_179, %dma_start3A_202, %dma_start3A_203] : memref<4096x200x144xf32, #tpu.memory_space<hbm>> -> memref<1x200x16xf32, #tpu.memory_space<hbm>>
        %dma_start3A_205 = tpu.memref_squeeze %dma_start3A_204 : memref<1x200x16xf32, #tpu.memory_space<hbm>> -> memref<200x16xf32, #tpu.memory_space<hbm>>
        %dma_start3A_206 = arith.constant 0 : i32
        %dma_start3A_207 = arith.constant 128 : i32
        %dma_start3A_208 = tpu.memref_slice %arg6[%add3A_179, %dma_start3A_206, %dma_start3A_207] : memref<4096x200x144xf32, #tpu.memory_space<hbm>> -> memref<1x200x16xf32, #tpu.memory_space<hbm>>
        %dma_start3A_209 = tpu.memref_squeeze %dma_start3A_208 : memref<1x200x16xf32, #tpu.memory_space<hbm>> -> memref<200x16xf32, #tpu.memory_space<hbm>>
        %dma_start3A_210 = arith.constant 0 : i32
        %dma_start3A_211 = arith.constant 0 : i32
        %dma_start3A_212 = tpu.memref_slice %arg11[%dma_start3A_197, %dma_start3A_210, %dma_start3A_211] : memref<2x200x16xf32, #tpu.memory_space<vmem>> -> memref<1x200x16xf32, #tpu.memory_space<vmem>>
        %dma_start3A_213 = tpu.memref_squeeze %dma_start3A_212 : memref<1x200x16xf32, #tpu.memory_space<vmem>> -> memref<200x16xf32, #tpu.memory_space<vmem>>
        tpu.enqueue_dma source(%dma_start3A_213 : memref<200x16xf32, #tpu.memory_space<vmem>>) target(%dma_start3A_209 : memref<200x16xf32, #tpu.memory_space<hbm>>) target_semaphore(%arg14 : memref<!tpu.dma_semaphore, #tpu.memory_space<semaphore_mem>>)
        %dma_wait3A_214 = arith.constant 0 : i32
        %dma_wait3A_215 = arith.constant 0 : i32
        %dma_wait3A_216 = arith.constant 0 : i32
        %dma_wait3A_217 = arith.constant 0 : i32
        %dma_wait3A_218 = tpu.memref_slice %arg10[%dma_wait3A_214, %dma_wait3A_216, %dma_wait3A_217] : memref<2x200x128xf32, #tpu.memory_space<vmem>> -> memref<1x200x128xf32, #tpu.memory_space<vmem>>
        %dma_wait3A_219 = tpu.memref_squeeze %dma_wait3A_218 : memref<1x200x128xf32, #tpu.memory_space<vmem>> -> memref<200x128xf32, #tpu.memory_space<vmem>>
        %dma_wait3A_220 = arith.constant 0 : i32
        %dma_wait3A_221 = arith.constant 0 : i32
        %dma_wait3A_222 = tpu.memref_slice %arg6[%dma_wait3A_215, %dma_wait3A_220, %dma_wait3A_221] : memref<4096x200x144xf32, #tpu.memory_space<hbm>> -> memref<1x200x128xf32, #tpu.memory_space<hbm>>
        %dma_wait3A_223 = tpu.memref_squeeze %dma_wait3A_222 : memref<1x200x128xf32, #tpu.memory_space<hbm>> -> memref<200x128xf32, #tpu.memory_space<hbm>>
        %dma_wait3A_224 = arith.constant 0 : i32
        %dma_wait3A_225 = arith.constant 0 : i32
        %dma_wait3A_226 = tpu.memref_slice %arg6[%dma_wait3A_215, %dma_wait3A_224, %dma_wait3A_225] : memref<4096x200x144xf32, #tpu.memory_space<hbm>> -> memref<1x200x128xf32, #tpu.memory_space<hbm>>
        %dma_wait3A_227 = tpu.memref_squeeze %dma_wait3A_226 : memref<1x200x128xf32, #tpu.memory_space<hbm>> -> memref<200x128xf32, #tpu.memory_space<hbm>>
        %dma_wait3A_228 = arith.constant 0 : i32
        %dma_wait3A_229 = arith.constant 0 : i32
        %dma_wait3A_230 = tpu.memref_slice %arg10[%dma_wait3A_214, %dma_wait3A_228, %dma_wait3A_229] : memref<2x200x128xf32, #tpu.memory_space<vmem>> -> memref<1x200x128xf32, #tpu.memory_space<vmem>>
        %dma_wait3A_231 = tpu.memref_squeeze %dma_wait3A_230 : memref<1x200x128xf32, #tpu.memory_space<vmem>> -> memref<200x128xf32, #tpu.memory_space<vmem>>
        tpu.wait_dma2 semaphore(%arg14 : memref<!tpu.dma_semaphore, #tpu.memory_space<semaphore_mem>>) src(%dma_wait3A_231 : memref<200x128xf32, #tpu.memory_space<vmem>>) dst(%dma_wait3A_227 : memref<200x128xf32, #tpu.memory_space<hbm>>)
        %dma_wait3A_232 = arith.constant 0 : i32
        %dma_wait3A_233 = arith.constant 0 : i32
        %dma_wait3A_234 = arith.constant 0 : i32
        %dma_wait3A_235 = arith.constant 0 : i32
        %dma_wait3A_236 = tpu.memref_slice %arg11[%dma_wait3A_232, %dma_wait3A_234, %dma_wait3A_235] : memref<2x200x16xf32, #tpu.memory_space<vmem>> -> memref<1x200x16xf32, #tpu.memory_space<vmem>>
        %dma_wait3A_237 = tpu.memref_squeeze %dma_wait3A_236 : memref<1x200x16xf32, #tpu.memory_space<vmem>> -> memref<200x16xf32, #tpu.memory_space<vmem>>
        %dma_wait3A_238 = arith.constant 0 : i32
        %dma_wait3A_239 = arith.constant 128 : i32
        %dma_wait3A_240 = tpu.memref_slice %arg6[%dma_wait3A_233, %dma_wait3A_238, %dma_wait3A_239] : memref<4096x200x144xf32, #tpu.memory_space<hbm>> -> memref<1x200x16xf32, #tpu.memory_space<hbm>>
        %dma_wait3A_241 = tpu.memref_squeeze %dma_wait3A_240 : memref<1x200x16xf32, #tpu.memory_space<hbm>> -> memref<200x16xf32, #tpu.memory_space<hbm>>
        %dma_wait3A_242 = arith.constant 0 : i32
        %dma_wait3A_243 = arith.constant 128 : i32
        %dma_wait3A_244 = tpu.memref_slice %arg6[%dma_wait3A_233, %dma_wait3A_242, %dma_wait3A_243] : memref<4096x200x144xf32, #tpu.memory_space<hbm>> -> memref<1x200x16xf32, #tpu.memory_space<hbm>>
        %dma_wait3A_245 = tpu.memref_squeeze %dma_wait3A_244 : memref<1x200x16xf32, #tpu.memory_space<hbm>> -> memref<200x16xf32, #tpu.memory_space<hbm>>
        %dma_wait3A_246 = arith.constant 0 : i32
        %dma_wait3A_247 = arith.constant 0 : i32
        %dma_wait3A_248 = tpu.memref_slice %arg11[%dma_wait3A_232, %dma_wait3A_246, %dma_wait3A_247] : memref<2x200x16xf32, #tpu.memory_space<vmem>> -> memref<1x200x16xf32, #tpu.memory_space<vmem>>
        %dma_wait3A_249 = tpu.memref_squeeze %dma_wait3A_248 : memref<1x200x16xf32, #tpu.memory_space<vmem>> -> memref<200x16xf32, #tpu.memory_space<vmem>>
        tpu.wait_dma2 semaphore(%arg14 : memref<!tpu.dma_semaphore, #tpu.memory_space<semaphore_mem>>) src(%dma_wait3A_249 : memref<200x16xf32, #tpu.memory_space<vmem>>) dst(%dma_wait3A_245 : memref<200x16xf32, #tpu.memory_space<hbm>>)
        %add3A_250 = arith.constant 2 : i32
        %add3A_251 = arith.addi %add3A_73, %add3A_250 : i32
        %lt3A = arith.constant 32 : i32
        %lt3A_252 = arith.cmpi slt, %add3A_251, %lt3A : i32
        %convert_element_type3A = arith.extui %lt3A_252 : i1 to i32
        %cond3A = arith.constant 0 : i32
        %cond3A_253 = arith.cmpi ne, %convert_element_type3A, %cond3A : i32
        scf.if %cond3A_253 {
          %add3A_446 = arith.constant 2 : i32
          %add3A_447 = arith.addi %add3A_73, %add3A_446 : i32
          %dma_start3A_448 = arith.constant 0 : i32
          %dma_start3A_449 = arith.constant 0 : i32
          %dma_start3A_450 = arith.constant 0 : i32
          %dma_start3A_451 = tpu.memref_slice %arg10[%dma_start3A_448, %dma_start3A_449, %dma_start3A_450] : memref<2x200x128xf32, #tpu.memory_space<vmem>> -> memref<1x128x128xf32, #tpu.memory_space<vmem>>
          %dma_start3A_452 = tpu.memref_squeeze %dma_start3A_451 : memref<1x128x128xf32, #tpu.memory_space<vmem>> -> memref<128x128xf32, #tpu.memory_space<vmem>>
          %dma_start3A_453 = arith.constant 0 : i32
          %dma_start3A_454 = tpu.memref_slice %arg7[%add3A_447, %dma_start3A_453] : memref<32x200xi32, #tpu.memory_space<vmem>> -> memref<1x128xi32, #tpu.memory_space<vmem>>
          %dma_start3A_455 = tpu.memref_squeeze %dma_start3A_454 : memref<1x128xi32, #tpu.memory_space<vmem>> -> memref<128xi32, #tpu.memory_space<vmem>>
          %dma_start3A_456 = arith.constant 0 : i32
          %dma_start3A_457 = arith.constant 0 : i32
          %dma_start3A_458 = tpu.memref_slice %arg4[%dma_start3A_456, %dma_start3A_457] : memref<1002x128xf32, #tpu.memory_space<hbm>> -> memref<1002x128xf32, #tpu.memory_space<hbm>>
          tpu.enqueue_indirect_dma source(%dma_start3A_458 : memref<1002x128xf32, #tpu.memory_space<hbm>>) target(%dma_start3A_452 : memref<128x128xf32, #tpu.memory_space<vmem>>) offsets(%dma_start3A_455 : memref<128xi32, #tpu.memory_space<vmem>>) semaphore(%arg12 : memref<!tpu.dma_semaphore, #tpu.memory_space<semaphore_mem>>)
          %dma_start3A_459 = arith.constant 0 : i32
          %dma_start3A_460 = arith.constant 128 : i32
          %dma_start3A_461 = arith.constant 0 : i32
          %dma_start3A_462 = tpu.memref_slice %arg10[%dma_start3A_459, %dma_start3A_460, %dma_start3A_461] : memref<2x200x128xf32, #tpu.memory_space<vmem>> -> memref<1x72x128xf32, #tpu.memory_space<vmem>>
          %dma_start3A_463 = tpu.memref_squeeze %dma_start3A_462 : memref<1x72x128xf32, #tpu.memory_space<vmem>> -> memref<72x128xf32, #tpu.memory_space<vmem>>
          %dma_start3A_464 = arith.constant 128 : i32
          %dma_start3A_465 = tpu.memref_slice %arg7[%add3A_447, %dma_start3A_464] : memref<32x200xi32, #tpu.memory_space<vmem>> -> memref<1x72xi32, #tpu.memory_space<vmem>>
          %dma_start3A_466 = tpu.memref_squeeze %dma_start3A_465 : memref<1x72xi32, #tpu.memory_space<vmem>> -> memref<72xi32, #tpu.memory_space<vmem>>
          %dma_start3A_467 = arith.constant 0 : i32
          %dma_start3A_468 = arith.constant 0 : i32
          %dma_start3A_469 = tpu.memref_slice %arg4[%dma_start3A_467, %dma_start3A_468] : memref<1002x128xf32, #tpu.memory_space<hbm>> -> memref<1002x128xf32, #tpu.memory_space<hbm>>
          tpu.enqueue_indirect_dma source(%dma_start3A_469 : memref<1002x128xf32, #tpu.memory_space<hbm>>) target(%dma_start3A_463 : memref<72x128xf32, #tpu.memory_space<vmem>>) offsets(%dma_start3A_466 : memref<72xi32, #tpu.memory_space<vmem>>) semaphore(%arg12 : memref<!tpu.dma_semaphore, #tpu.memory_space<semaphore_mem>>)
        } else {
        }
        %add3A_254 = arith.constant 1 : i32
        %add3A_255 = arith.addi %add3A_71, %add3A_254 : i32
        %scan3A_256 = arith.constant 0 : i32
        %scan3A_257 = arith.constant 12 : i32
        %scan3A_258 = arith.addi %scan3A_256, %scan3A_257 : i32
        %scan3A_259 = arith.constant 1 : i32
        scf.for %scan3A_446 = %scan3A_256 to %scan3A_258 step %scan3A_259  : i32 {
          %mul3A_447 = arith.constant 16 : i32
          %mul3A_448 = arith.muli %scan3A_446, %mul3A_447 : i32
          %add3A_449 = arith.constant 0 : i32
          %add3A_450 = arith.addi %add3A_449, %mul3A_448 : i32
          %get3A_451 = arith.index_cast %add3A_255 : i32 to index
          %get3A_452 = arith.index_cast %add3A_450 : i32 to index
          %get3A_453 = tpu.vector_load %arg8[%get3A_451, %get3A_452] {strides = array<i32>} : memref<32x200xi32, #tpu.memory_space<vmem>>, vector<16xi32>,
          %slice3A_454 = vector.extract_strided_slice %get3A_453 {offsets = [0], sizes = [1], strides = [1]} : vector<16xi32> to vector<1xi32>
          %squeeze3A_455 = vector.extract %slice3A_454[0] : i32 from vector<1xi32>
          %broadcast_in_dim3A_456 = vector.broadcast %squeeze3A_455 : i32 to vector<16xi32>
          %gather3A_457 = tpu.vector_load_idx %arg9[%broadcast_in_dim3A_456, %iota3A] : memref<24x16xf32, #tpu.memory_space<vmem>>[vector<16xi32>, vector<16xi32>], vector<16xf32>,
          %add3A_458 = arith.constant 0 : i32
          %add3A_459 = arith.addi %add3A_450, %add3A_458 : i32
          %swap3A_460 = arith.constant 1 : i32
          %swap3A_461 = arith.index_cast %swap3A_460 : i32 to index
          %swap3A_462 = arith.index_cast %add3A_459 : i32 to index
          %swap3A_463 = arith.constant 0 : index
          %swap3A_464 = tpu.vector_load %arg11[%swap3A_461, %swap3A_462, %swap3A_463] {strides = array<i32>} : memref<2x200x16xf32, #tpu.memory_space<vmem>>, vector<16xf32>,
          tpu.vector_store %arg11[%swap3A_461, %swap3A_462, %swap3A_463], %gather3A_457 {strides = array<i32>} : memref<2x200x16xf32, #tpu.memory_space<vmem>>, vector<16xf32>,
          %slice3A_465 = vector.extract_strided_slice %get3A_453 {offsets = [1], sizes = [1], strides = [1]} : vector<16xi32> to vector<1xi32>
          %squeeze3A_466 = vector.extract %slice3A_465[0] : i32 from vector<1xi32>
          %broadcast_in_dim3A_467 = vector.broadcast %squeeze3A_466 : i32 to vector<16xi32>
          %gather3A_468 = tpu.vector_load_idx %arg9[%broadcast_in_dim3A_467, %iota3A] : memref<24x16xf32, #tpu.memory_space<vmem>>[vector<16xi32>, vector<16xi32>], vector<16xf32>,
          %add3A_469 = arith.constant 1 : i32
          %add3A_470 = arith.addi %add3A_450, %add3A_469 : i32
          %swap3A_471 = arith.constant 1 : i32
          %swap3A_472 = arith.index_cast %swap3A_471 : i32 to index
          %swap3A_473 = arith.index_cast %add3A_470 : i32 to index
          %swap3A_474 = arith.constant 0 : index
          %swap3A_475 = tpu.vector_load %arg11[%swap3A_472, %swap3A_473, %swap3A_474] {strides = array<i32>} : memref<2x200x16xf32, #tpu.memory_space<vmem>>, vector<16xf32>,
          tpu.vector_store %arg11[%swap3A_472, %swap3A_473, %swap3A_474], %gather3A_468 {strides = array<i32>} : memref<2x200x16xf32, #tpu.memory_space<vmem>>, vector<16xf32>,
          %slice3A_476 = vector.extract_strided_slice %get3A_453 {offsets = [2], sizes = [1], strides = [1]} : vector<16xi32> to vector<1xi32>
          %squeeze3A_477 = vector.extract %slice3A_476[0] : i32 from vector<1xi32>
          %broadcast_in_dim3A_478 = vector.broadcast %squeeze3A_477 : i32 to vector<16xi32>
          %gather3A_479 = tpu.vector_load_idx %arg9[%broadcast_in_dim3A_478, %iota3A] : memref<24x16xf32, #tpu.memory_space<vmem>>[vector<16xi32>, vector<16xi32>], vector<16xf32>,
          %add3A_480 = arith.constant 2 : i32
          %add3A_481 = arith.addi %add3A_450, %add3A_480 : i32
          %swap3A_482 = arith.constant 1 : i32
          %swap3A_483 = arith.index_cast %swap3A_482 : i32 to index
          %swap3A_484 = arith.index_cast %add3A_481 : i32 to index
          %swap3A_485 = arith.constant 0 : index
          %swap3A_486 = tpu.vector_load %arg11[%swap3A_483, %swap3A_484, %swap3A_485] {strides = array<i32>} : memref<2x200x16xf32, #tpu.memory_space<vmem>>, vector<16xf32>,
          tpu.vector_store %arg11[%swap3A_483, %swap3A_484, %swap3A_485], %gather3A_479 {strides = array<i32>} : memref<2x200x16xf32, #tpu.memory_space<vmem>>, vector<16xf32>,
          %slice3A_487 = vector.extract_strided_slice %get3A_453 {offsets = [3], sizes = [1], strides = [1]} : vector<16xi32> to vector<1xi32>
          %squeeze3A_488 = vector.extract %slice3A_487[0] : i32 from vector<1xi32>
          %broadcast_in_dim3A_489 = vector.broadcast %squeeze3A_488 : i32 to vector<16xi32>
          %gather3A_490 = tpu.vector_load_idx %arg9[%broadcast_in_dim3A_489, %iota3A] : memref<24x16xf32, #tpu.memory_space<vmem>>[vector<16xi32>, vector<16xi32>], vector<16xf32>,
          %add3A_491 = arith.constant 3 : i32
          %add3A_492 = arith.addi %add3A_450, %add3A_491 : i32
          %swap3A_493 = arith.constant 1 : i32
          %swap3A_494 = arith.index_cast %swap3A_493 : i32 to index
          %swap3A_495 = arith.index_cast %add3A_492 : i32 to index
          %swap3A_496 = arith.constant 0 : index
          %swap3A_497 = tpu.vector_load %arg11[%swap3A_494, %swap3A_495, %swap3A_496] {strides = array<i32>} : memref<2x200x16xf32, #tpu.memory_space<vmem>>, vector<16xf32>,
          tpu.vector_store %arg11[%swap3A_494, %swap3A_495, %swap3A_496], %gather3A_490 {strides = array<i32>} : memref<2x200x16xf32, #tpu.memory_space<vmem>>, vector<16xf32>,
          %slice3A_498 = vector.extract_strided_slice %get3A_453 {offsets = [4], sizes = [1], strides = [1]} : vector<16xi32> to vector<1xi32>
          %squeeze3A_499 = vector.extract %slice3A_498[0] : i32 from vector<1xi32>
          %broadcast_in_dim3A_500 = vector.broadcast %squeeze3A_499 : i32 to vector<16xi32>
          %gather3A_501 = tpu.vector_load_idx %arg9[%broadcast_in_dim3A_500, %iota3A] : memref<24x16xf32, #tpu.memory_space<vmem>>[vector<16xi32>, vector<16xi32>], vector<16xf32>,
          %add3A_502 = arith.constant 4 : i32
          %add3A_503 = arith.addi %add3A_450, %add3A_502 : i32
          %swap3A_504 = arith.constant 1 : i32
          %swap3A_505 = arith.index_cast %swap3A_504 : i32 to index
          %swap3A_506 = arith.index_cast %add3A_503 : i32 to index
          %swap3A_507 = arith.constant 0 : index
          %swap3A_508 = tpu.vector_load %arg11[%swap3A_505, %swap3A_506, %swap3A_507] {strides = array<i32>} : memref<2x200x16xf32, #tpu.memory_space<vmem>>, vector<16xf32>,
          tpu.vector_store %arg11[%swap3A_505, %swap3A_506, %swap3A_507], %gather3A_501 {strides = array<i32>} : memref<2x200x16xf32, #tpu.memory_space<vmem>>, vector<16xf32>,
          %slice3A_509 = vector.extract_strided_slice %get3A_453 {offsets = [5], sizes = [1], strides = [1]} : vector<16xi32> to vector<1xi32>
          %squeeze3A_510 = vector.extract %slice3A_509[0] : i32 from vector<1xi32>
          %broadcast_in_dim3A_511 = vector.broadcast %squeeze3A_510 : i32 to vector<16xi32>
          %gather3A_512 = tpu.vector_load_idx %arg9[%broadcast_in_dim3A_511, %iota3A] : memref<24x16xf32, #tpu.memory_space<vmem>>[vector<16xi32>, vector<16xi32>], vector<16xf32>,
          %add3A_513 = arith.constant 5 : i32
          %add3A_514 = arith.addi %add3A_450, %add3A_513 : i32
          %swap3A_515 = arith.constant 1 : i32
          %swap3A_516 = arith.index_cast %swap3A_515 : i32 to index
          %swap3A_517 = arith.index_cast %add3A_514 : i32 to index
          %swap3A_518 = arith.constant 0 : index
          %swap3A_519 = tpu.vector_load %arg11[%swap3A_516, %swap3A_517, %swap3A_518] {strides = array<i32>} : memref<2x200x16xf32, #tpu.memory_space<vmem>>, vector<16xf32>,
          tpu.vector_store %arg11[%swap3A_516, %swap3A_517, %swap3A_518], %gather3A_512 {strides = array<i32>} : memref<2x200x16xf32, #tpu.memory_space<vmem>>, vector<16xf32>,
          %slice3A_520 = vector.extract_strided_slice %get3A_453 {offsets = [6], sizes = [1], strides = [1]} : vector<16xi32> to vector<1xi32>
          %squeeze3A_521 = vector.extract %slice3A_520[0] : i32 from vector<1xi32>
          %broadcast_in_dim3A_522 = vector.broadcast %squeeze3A_521 : i32 to vector<16xi32>
          %gather3A_523 = tpu.vector_load_idx %arg9[%broadcast_in_dim3A_522, %iota3A] : memref<24x16xf32, #tpu.memory_space<vmem>>[vector<16xi32>, vector<16xi32>], vector<16xf32>,
          %add3A_524 = arith.constant 6 : i32
          %add3A_525 = arith.addi %add3A_450, %add3A_524 : i32
          %swap3A_526 = arith.constant 1 : i32
          %swap3A_527 = arith.index_cast %swap3A_526 : i32 to index
          %swap3A_528 = arith.index_cast %add3A_525 : i32 to index
          %swap3A_529 = arith.constant 0 : index
          %swap3A_530 = tpu.vector_load %arg11[%swap3A_527, %swap3A_528, %swap3A_529] {strides = array<i32>} : memref<2x200x16xf32, #tpu.memory_space<vmem>>, vector<16xf32>,
          tpu.vector_store %arg11[%swap3A_527, %swap3A_528, %swap3A_529], %gather3A_523 {strides = array<i32>} : memref<2x200x16xf32, #tpu.memory_space<vmem>>, vector<16xf32>,
          %slice3A_531 = vector.extract_strided_slice %get3A_453 {offsets = [7], sizes = [1], strides = [1]} : vector<16xi32> to vector<1xi32>
          %squeeze3A_532 = vector.extract %slice3A_531[0] : i32 from vector<1xi32>
          %broadcast_in_dim3A_533 = vector.broadcast %squeeze3A_532 : i32 to vector<16xi32>
          %gather3A_534 = tpu.vector_load_idx %arg9[%broadcast_in_dim3A_533, %iota3A] : memref<24x16xf32, #tpu.memory_space<vmem>>[vector<16xi32>, vector<16xi32>], vector<16xf32>,
          %add3A_535 = arith.constant 7 : i32
          %add3A_536 = arith.addi %add3A_450, %add3A_535 : i32
          %swap3A_537 = arith.constant 1 : i32
          %swap3A_538 = arith.index_cast %swap3A_537 : i32 to index
          %swap3A_539 = arith.index_cast %add3A_536 : i32 to index
          %swap3A_540 = arith.constant 0 : index
          %swap3A_541 = tpu.vector_load %arg11[%swap3A_538, %swap3A_539, %swap3A_540] {strides = array<i32>} : memref<2x200x16xf32, #tpu.memory_space<vmem>>, vector<16xf32>,
          tpu.vector_store %arg11[%swap3A_538, %swap3A_539, %swap3A_540], %gather3A_534 {strides = array<i32>} : memref<2x200x16xf32, #tpu.memory_space<vmem>>, vector<16xf32>,
          %slice3A_542 = vector.extract_strided_slice %get3A_453 {offsets = [8], sizes = [1], strides = [1]} : vector<16xi32> to vector<1xi32>
          %squeeze3A_543 = vector.extract %slice3A_542[0] : i32 from vector<1xi32>
          %broadcast_in_dim3A_544 = vector.broadcast %squeeze3A_543 : i32 to vector<16xi32>
          %gather3A_545 = tpu.vector_load_idx %arg9[%broadcast_in_dim3A_544, %iota3A] : memref<24x16xf32, #tpu.memory_space<vmem>>[vector<16xi32>, vector<16xi32>], vector<16xf32>,
          %add3A_546 = arith.constant 8 : i32
          %add3A_547 = arith.addi %add3A_450, %add3A_546 : i32
          %swap3A_548 = arith.constant 1 : i32
          %swap3A_549 = arith.index_cast %swap3A_548 : i32 to index
          %swap3A_550 = arith.index_cast %add3A_547 : i32 to index
          %swap3A_551 = arith.constant 0 : index
          %swap3A_552 = tpu.vector_load %arg11[%swap3A_549, %swap3A_550, %swap3A_551] {strides = array<i32>} : memref<2x200x16xf32, #tpu.memory_space<vmem>>, vector<16xf32>,
          tpu.vector_store %arg11[%swap3A_549, %swap3A_550, %swap3A_551], %gather3A_545 {strides = array<i32>} : memref<2x200x16xf32, #tpu.memory_space<vmem>>, vector<16xf32>,
          %slice3A_553 = vector.extract_strided_slice %get3A_453 {offsets = [9], sizes = [1], strides = [1]} : vector<16xi32> to vector<1xi32>
          %squeeze3A_554 = vector.extract %slice3A_553[0] : i32 from vector<1xi32>
          %broadcast_in_dim3A_555 = vector.broadcast %squeeze3A_554 : i32 to vector<16xi32>
          %gather3A_556 = tpu.vector_load_idx %arg9[%broadcast_in_dim3A_555, %iota3A] : memref<24x16xf32, #tpu.memory_space<vmem>>[vector<16xi32>, vector<16xi32>], vector<16xf32>,
          %add3A_557 = arith.constant 9 : i32
          %add3A_558 = arith.addi %add3A_450, %add3A_557 : i32
          %swap3A_559 = arith.constant 1 : i32
          %swap3A_560 = arith.index_cast %swap3A_559 : i32 to index
          %swap3A_561 = arith.index_cast %add3A_558 : i32 to index
          %swap3A_562 = arith.constant 0 : index
          %swap3A_563 = tpu.vector_load %arg11[%swap3A_560, %swap3A_561, %swap3A_562] {strides = array<i32>} : memref<2x200x16xf32, #tpu.memory_space<vmem>>, vector<16xf32>,
          tpu.vector_store %arg11[%swap3A_560, %swap3A_561, %swap3A_562], %gather3A_556 {strides = array<i32>} : memref<2x200x16xf32, #tpu.memory_space<vmem>>, vector<16xf32>,
          %slice3A_564 = vector.extract_strided_slice %get3A_453 {offsets = [10], sizes = [1], strides = [1]} : vector<16xi32> to vector<1xi32>
          %squeeze3A_565 = vector.extract %slice3A_564[0] : i32 from vector<1xi32>
          %broadcast_in_dim3A_566 = vector.broadcast %squeeze3A_565 : i32 to vector<16xi32>
          %gather3A_567 = tpu.vector_load_idx %arg9[%broadcast_in_dim3A_566, %iota3A] : memref<24x16xf32, #tpu.memory_space<vmem>>[vector<16xi32>, vector<16xi32>], vector<16xf32>,
          %add3A_568 = arith.constant 10 : i32
          %add3A_569 = arith.addi %add3A_450, %add3A_568 : i32
          %swap3A_570 = arith.constant 1 : i32
          %swap3A_571 = arith.index_cast %swap3A_570 : i32 to index
          %swap3A_572 = arith.index_cast %add3A_569 : i32 to index
          %swap3A_573 = arith.constant 0 : index
          %swap3A_574 = tpu.vector_load %arg11[%swap3A_571, %swap3A_572, %swap3A_573] {strides = array<i32>} : memref<2x200x16xf32, #tpu.memory_space<vmem>>, vector<16xf32>,
          tpu.vector_store %arg11[%swap3A_571, %swap3A_572, %swap3A_573], %gather3A_567 {strides = array<i32>} : memref<2x200x16xf32, #tpu.memory_space<vmem>>, vector<16xf32>,
          %slice3A_575 = vector.extract_strided_slice %get3A_453 {offsets = [11], sizes = [1], strides = [1]} : vector<16xi32> to vector<1xi32>
          %squeeze3A_576 = vector.extract %slice3A_575[0] : i32 from vector<1xi32>
          %broadcast_in_dim3A_577 = vector.broadcast %squeeze3A_576 : i32 to vector<16xi32>
          %gather3A_578 = tpu.vector_load_idx %arg9[%broadcast_in_dim3A_577, %iota3A] : memref<24x16xf32, #tpu.memory_space<vmem>>[vector<16xi32>, vector<16xi32>], vector<16xf32>,
          %add3A_579 = arith.constant 11 : i32
          %add3A_580 = arith.addi %add3A_450, %add3A_579 : i32
          %swap3A_581 = arith.constant 1 : i32
          %swap3A_582 = arith.index_cast %swap3A_581 : i32 to index
          %swap3A_583 = arith.index_cast %add3A_580 : i32 to index
          %swap3A_584 = arith.constant 0 : index
          %swap3A_585 = tpu.vector_load %arg11[%swap3A_582, %swap3A_583, %swap3A_584] {strides = array<i32>} : memref<2x200x16xf32, #tpu.memory_space<vmem>>, vector<16xf32>,
          tpu.vector_store %arg11[%swap3A_582, %swap3A_583, %swap3A_584], %gather3A_578 {strides = array<i32>} : memref<2x200x16xf32, #tpu.memory_space<vmem>>, vector<16xf32>,
          %slice3A_586 = vector.extract_strided_slice %get3A_453 {offsets = [12], sizes = [1], strides = [1]} : vector<16xi32> to vector<1xi32>
          %squeeze3A_587 = vector.extract %slice3A_586[0] : i32 from vector<1xi32>
          %broadcast_in_dim3A_588 = vector.broadcast %squeeze3A_587 : i32 to vector<16xi32>
          %gather3A_589 = tpu.vector_load_idx %arg9[%broadcast_in_dim3A_588, %iota3A] : memref<24x16xf32, #tpu.memory_space<vmem>>[vector<16xi32>, vector<16xi32>], vector<16xf32>,
          %add3A_590 = arith.constant 12 : i32
          %add3A_591 = arith.addi %add3A_450, %add3A_590 : i32
          %swap3A_592 = arith.constant 1 : i32
          %swap3A_593 = arith.index_cast %swap3A_592 : i32 to index
          %swap3A_594 = arith.index_cast %add3A_591 : i32 to index
          %swap3A_595 = arith.constant 0 : index
          %swap3A_596 = tpu.vector_load %arg11[%swap3A_593, %swap3A_594, %swap3A_595] {strides = array<i32>} : memref<2x200x16xf32, #tpu.memory_space<vmem>>, vector<16xf32>,
          tpu.vector_store %arg11[%swap3A_593, %swap3A_594, %swap3A_595], %gather3A_589 {strides = array<i32>} : memref<2x200x16xf32, #tpu.memory_space<vmem>>, vector<16xf32>,
          %slice3A_597 = vector.extract_strided_slice %get3A_453 {offsets = [13], sizes = [1], strides = [1]} : vector<16xi32> to vector<1xi32>
          %squeeze3A_598 = vector.extract %slice3A_597[0] : i32 from vector<1xi32>
          %broadcast_in_dim3A_599 = vector.broadcast %squeeze3A_598 : i32 to vector<16xi32>
          %gather3A_600 = tpu.vector_load_idx %arg9[%broadcast_in_dim3A_599, %iota3A] : memref<24x16xf32, #tpu.memory_space<vmem>>[vector<16xi32>, vector<16xi32>], vector<16xf32>,
          %add3A_601 = arith.constant 13 : i32
          %add3A_602 = arith.addi %add3A_450, %add3A_601 : i32
          %swap3A_603 = arith.constant 1 : i32
          %swap3A_604 = arith.index_cast %swap3A_603 : i32 to index
          %swap3A_605 = arith.index_cast %add3A_602 : i32 to index
          %swap3A_606 = arith.constant 0 : index
          %swap3A_607 = tpu.vector_load %arg11[%swap3A_604, %swap3A_605, %swap3A_606] {strides = array<i32>} : memref<2x200x16xf32, #tpu.memory_space<vmem>>, vector<16xf32>,
          tpu.vector_store %arg11[%swap3A_604, %swap3A_605, %swap3A_606], %gather3A_600 {strides = array<i32>} : memref<2x200x16xf32, #tpu.memory_space<vmem>>, vector<16xf32>,
          %slice3A_608 = vector.extract_strided_slice %get3A_453 {offsets = [14], sizes = [1], strides = [1]} : vector<16xi32> to vector<1xi32>
          %squeeze3A_609 = vector.extract %slice3A_608[0] : i32 from vector<1xi32>
          %broadcast_in_dim3A_610 = vector.broadcast %squeeze3A_609 : i32 to vector<16xi32>
          %gather3A_611 = tpu.vector_load_idx %arg9[%broadcast_in_dim3A_610, %iota3A] : memref<24x16xf32, #tpu.memory_space<vmem>>[vector<16xi32>, vector<16xi32>], vector<16xf32>,
          %add3A_612 = arith.constant 14 : i32
          %add3A_613 = arith.addi %add3A_450, %add3A_612 : i32
          %swap3A_614 = arith.constant 1 : i32
          %swap3A_615 = arith.index_cast %swap3A_614 : i32 to index
          %swap3A_616 = arith.index_cast %add3A_613 : i32 to index
          %swap3A_617 = arith.constant 0 : index
          %swap3A_618 = tpu.vector_load %arg11[%swap3A_615, %swap3A_616, %swap3A_617] {strides = array<i32>} : memref<2x200x16xf32, #tpu.memory_space<vmem>>, vector<16xf32>,
          tpu.vector_store %arg11[%swap3A_615, %swap3A_616, %swap3A_617], %gather3A_611 {strides = array<i32>} : memref<2x200x16xf32, #tpu.memory_space<vmem>>, vector<16xf32>,
          %slice3A_619 = vector.extract_strided_slice %get3A_453 {offsets = [15], sizes = [1], strides = [1]} : vector<16xi32> to vector<1xi32>
          %squeeze3A_620 = vector.extract %slice3A_619[0] : i32 from vector<1xi32>
          %broadcast_in_dim3A_621 = vector.broadcast %squeeze3A_620 : i32 to vector<16xi32>
          %gather3A_622 = tpu.vector_load_idx %arg9[%broadcast_in_dim3A_621, %iota3A] : memref<24x16xf32, #tpu.memory_space<vmem>>[vector<16xi32>, vector<16xi32>], vector<16xf32>,
          %add3A_623 = arith.constant 15 : i32
          %add3A_624 = arith.addi %add3A_450, %add3A_623 : i32
          %swap3A_625 = arith.constant 1 : i32
          %swap3A_626 = arith.index_cast %swap3A_625 : i32 to index
          %swap3A_627 = arith.index_cast %add3A_624 : i32 to index
          %swap3A_628 = arith.constant 0 : index
          %swap3A_629 = tpu.vector_load %arg11[%swap3A_626, %swap3A_627, %swap3A_628] {strides = array<i32>} : memref<2x200x16xf32, #tpu.memory_space<vmem>>, vector<16xf32>,
          tpu.vector_store %arg11[%swap3A_626, %swap3A_627, %swap3A_628], %gather3A_622 {strides = array<i32>} : memref<2x200x16xf32, #tpu.memory_space<vmem>>, vector<16xf32>,
        }
        %scan3A_260 = arith.constant 12 : i32
        %get3A_261 = arith.index_cast %add3A_255 : i32 to index
        %get3A_262 = arith.constant 184 : index
        %get3A_263 = tpu.vector_load %arg8[%get3A_261, %get3A_262] {strides = array<i32>} : memref<32x200xi32, #tpu.memory_space<vmem>>, vector<16xi32>,
        %slice3A_264 = vector.extract_strided_slice %get3A_263 {offsets = [8], sizes = [1], strides = [1]} : vector<16xi32> to vector<1xi32>
        %squeeze3A_265 = vector.extract %slice3A_264[0] : i32 from vector<1xi32>
        %broadcast_in_dim3A_266 = vector.broadcast %squeeze3A_265 : i32 to vector<16xi32>
        %gather3A_267 = tpu.vector_load_idx %arg9[%broadcast_in_dim3A_266, %iota3A] : memref<24x16xf32, #tpu.memory_space<vmem>>[vector<16xi32>, vector<16xi32>], vector<16xf32>,
        %swap3A_268 = arith.constant 1 : i32
        %swap3A_269 = arith.constant 192 : i32
        %swap3A_270 = arith.index_cast %swap3A_268 : i32 to index
        %swap3A_271 = arith.index_cast %swap3A_269 : i32 to index
        %swap3A_272 = arith.constant 0 : index
        %swap3A_273 = tpu.vector_load %arg11[%swap3A_270, %swap3A_271, %swap3A_272] {strides = array<i32>} : memref<2x200x16xf32, #tpu.memory_space<vmem>>, vector<16xf32>,
        tpu.vector_store %arg11[%swap3A_270, %swap3A_271, %swap3A_272], %gather3A_267 {strides = array<i32>} : memref<2x200x16xf32, #tpu.memory_space<vmem>>, vector<16xf32>,
        %slice3A_274 = vector.extract_strided_slice %get3A_263 {offsets = [9], sizes = [1], strides = [1]} : vector<16xi32> to vector<1xi32>
        %squeeze3A_275 = vector.extract %slice3A_274[0] : i32 from vector<1xi32>
        %broadcast_in_dim3A_276 = vector.broadcast %squeeze3A_275 : i32 to vector<16xi32>
        %gather3A_277 = tpu.vector_load_idx %arg9[%broadcast_in_dim3A_276, %iota3A] : memref<24x16xf32, #tpu.memory_space<vmem>>[vector<16xi32>, vector<16xi32>], vector<16xf32>,
        %swap3A_278 = arith.constant 1 : i32
        %swap3A_279 = arith.constant 193 : i32
        %swap3A_280 = arith.index_cast %swap3A_278 : i32 to index
        %swap3A_281 = arith.index_cast %swap3A_279 : i32 to index
        %swap3A_282 = arith.constant 0 : index
        %swap3A_283 = tpu.vector_load %arg11[%swap3A_280, %swap3A_281, %swap3A_282] {strides = array<i32>} : memref<2x200x16xf32, #tpu.memory_space<vmem>>, vector<16xf32>,
        tpu.vector_store %arg11[%swap3A_280, %swap3A_281, %swap3A_282], %gather3A_277 {strides = array<i32>} : memref<2x200x16xf32, #tpu.memory_space<vmem>>, vector<16xf32>,
        %slice3A_284 = vector.extract_strided_slice %get3A_263 {offsets = [10], sizes = [1], strides = [1]} : vector<16xi32> to vector<1xi32>
        %squeeze3A_285 = vector.extract %slice3A_284[0] : i32 from vector<1xi32>
        %broadcast_in_dim3A_286 = vector.broadcast %squeeze3A_285 : i32 to vector<16xi32>
        %gather3A_287 = tpu.vector_load_idx %arg9[%broadcast_in_dim3A_286, %iota3A] : memref<24x16xf32, #tpu.memory_space<vmem>>[vector<16xi32>, vector<16xi32>], vector<16xf32>,
        %swap3A_288 = arith.constant 1 : i32
        %swap3A_289 = arith.constant 194 : i32
        %swap3A_290 = arith.index_cast %swap3A_288 : i32 to index
        %swap3A_291 = arith.index_cast %swap3A_289 : i32 to index
        %swap3A_292 = arith.constant 0 : index
        %swap3A_293 = tpu.vector_load %arg11[%swap3A_290, %swap3A_291, %swap3A_292] {strides = array<i32>} : memref<2x200x16xf32, #tpu.memory_space<vmem>>, vector<16xf32>,
        tpu.vector_store %arg11[%swap3A_290, %swap3A_291, %swap3A_292], %gather3A_287 {strides = array<i32>} : memref<2x200x16xf32, #tpu.memory_space<vmem>>, vector<16xf32>,
        %slice3A_294 = vector.extract_strided_slice %get3A_263 {offsets = [11], sizes = [1], strides = [1]} : vector<16xi32> to vector<1xi32>
        %squeeze3A_295 = vector.extract %slice3A_294[0] : i32 from vector<1xi32>
        %broadcast_in_dim3A_296 = vector.broadcast %squeeze3A_295 : i32 to vector<16xi32>
        %gather3A_297 = tpu.vector_load_idx %arg9[%broadcast_in_dim3A_296, %iota3A] : memref<24x16xf32, #tpu.memory_space<vmem>>[vector<16xi32>, vector<16xi32>], vector<16xf32>,
        %swap3A_298 = arith.constant 1 : i32
        %swap3A_299 = arith.constant 195 : i32
        %swap3A_300 = arith.index_cast %swap3A_298 : i32 to index
        %swap3A_301 = arith.index_cast %swap3A_299 : i32 to index
        %swap3A_302 = arith.constant 0 : index
        %swap3A_303 = tpu.vector_load %arg11[%swap3A_300, %swap3A_301, %swap3A_302] {strides = array<i32>} : memref<2x200x16xf32, #tpu.memory_space<vmem>>, vector<16xf32>,
        tpu.vector_store %arg11[%swap3A_300, %swap3A_301, %swap3A_302], %gather3A_297 {strides = array<i32>} : memref<2x200x16xf32, #tpu.memory_space<vmem>>, vector<16xf32>,
        %slice3A_304 = vector.extract_strided_slice %get3A_263 {offsets = [12], sizes = [1], strides = [1]} : vector<16xi32> to vector<1xi32>
        %squeeze3A_305 = vector.extract %slice3A_304[0] : i32 from vector<1xi32>
        %broadcast_in_dim3A_306 = vector.broadcast %squeeze3A_305 : i32 to vector<16xi32>
        %gather3A_307 = tpu.vector_load_idx %arg9[%broadcast_in_dim3A_306, %iota3A] : memref<24x16xf32, #tpu.memory_space<vmem>>[vector<16xi32>, vector<16xi32>], vector<16xf32>,
        %swap3A_308 = arith.constant 1 : i32
        %swap3A_309 = arith.constant 196 : i32
        %swap3A_310 = arith.index_cast %swap3A_308 : i32 to index
        %swap3A_311 = arith.index_cast %swap3A_309 : i32 to index
        %swap3A_312 = arith.constant 0 : index
        %swap3A_313 = tpu.vector_load %arg11[%swap3A_310, %swap3A_311, %swap3A_312] {strides = array<i32>} : memref<2x200x16xf32, #tpu.memory_space<vmem>>, vector<16xf32>,
        tpu.vector_store %arg11[%swap3A_310, %swap3A_311, %swap3A_312], %gather3A_307 {strides = array<i32>} : memref<2x200x16xf32, #tpu.memory_space<vmem>>, vector<16xf32>,
        %slice3A_314 = vector.extract_strided_slice %get3A_263 {offsets = [13], sizes = [1], strides = [1]} : vector<16xi32> to vector<1xi32>
        %squeeze3A_315 = vector.extract %slice3A_314[0] : i32 from vector<1xi32>
        %broadcast_in_dim3A_316 = vector.broadcast %squeeze3A_315 : i32 to vector<16xi32>
        %gather3A_317 = tpu.vector_load_idx %arg9[%broadcast_in_dim3A_316, %iota3A] : memref<24x16xf32, #tpu.memory_space<vmem>>[vector<16xi32>, vector<16xi32>], vector<16xf32>,
        %swap3A_318 = arith.constant 1 : i32
        %swap3A_319 = arith.constant 197 : i32
        %swap3A_320 = arith.index_cast %swap3A_318 : i32 to index
        %swap3A_321 = arith.index_cast %swap3A_319 : i32 to index
        %swap3A_322 = arith.constant 0 : index
        %swap3A_323 = tpu.vector_load %arg11[%swap3A_320, %swap3A_321, %swap3A_322] {strides = array<i32>} : memref<2x200x16xf32, #tpu.memory_space<vmem>>, vector<16xf32>,
        tpu.vector_store %arg11[%swap3A_320, %swap3A_321, %swap3A_322], %gather3A_317 {strides = array<i32>} : memref<2x200x16xf32, #tpu.memory_space<vmem>>, vector<16xf32>,
        %slice3A_324 = vector.extract_strided_slice %get3A_263 {offsets = [14], sizes = [1], strides = [1]} : vector<16xi32> to vector<1xi32>
        %squeeze3A_325 = vector.extract %slice3A_324[0] : i32 from vector<1xi32>
        %broadcast_in_dim3A_326 = vector.broadcast %squeeze3A_325 : i32 to vector<16xi32>
        %gather3A_327 = tpu.vector_load_idx %arg9[%broadcast_in_dim3A_326, %iota3A] : memref<24x16xf32, #tpu.memory_space<vmem>>[vector<16xi32>, vector<16xi32>], vector<16xf32>,
        %swap3A_328 = arith.constant 1 : i32
        %swap3A_329 = arith.constant 198 : i32
        %swap3A_330 = arith.index_cast %swap3A_328 : i32 to index
        %swap3A_331 = arith.index_cast %swap3A_329 : i32 to index
        %swap3A_332 = arith.constant 0 : index
        %swap3A_333 = tpu.vector_load %arg11[%swap3A_330, %swap3A_331, %swap3A_332] {strides = array<i32>} : memref<2x200x16xf32, #tpu.memory_space<vmem>>, vector<16xf32>,
        tpu.vector_store %arg11[%swap3A_330, %swap3A_331, %swap3A_332], %gather3A_327 {strides = array<i32>} : memref<2x200x16xf32, #tpu.memory_space<vmem>>, vector<16xf32>,
        %slice3A_334 = vector.extract_strided_slice %get3A_263 {offsets = [15], sizes = [1], strides = [1]} : vector<16xi32> to vector<1xi32>
        %squeeze3A_335 = vector.extract %slice3A_334[0] : i32 from vector<1xi32>
        %broadcast_in_dim3A_336 = vector.broadcast %squeeze3A_335 : i32 to vector<16xi32>
        %gather3A_337 = tpu.vector_load_idx %arg9[%broadcast_in_dim3A_336, %iota3A] : memref<24x16xf32, #tpu.memory_space<vmem>>[vector<16xi32>, vector<16xi32>], vector<16xf32>,
        %swap3A_338 = arith.constant 1 : i32
        %swap3A_339 = arith.constant 199 : i32
        %swap3A_340 = arith.index_cast %swap3A_338 : i32 to index
        %swap3A_341 = arith.index_cast %swap3A_339 : i32 to index
        %swap3A_342 = arith.constant 0 : index
        %swap3A_343 = tpu.vector_load %arg11[%swap3A_340, %swap3A_341, %swap3A_342] {strides = array<i32>} : memref<2x200x16xf32, #tpu.memory_space<vmem>>, vector<16xf32>,
        tpu.vector_store %arg11[%swap3A_340, %swap3A_341, %swap3A_342], %gather3A_337 {strides = array<i32>} : memref<2x200x16xf32, #tpu.memory_space<vmem>>, vector<16xf32>,
        %dma_wait3A_344 = arith.constant 0 : i32
        %dma_wait3A_345 = arith.constant 1 : i32
        %dma_wait3A_346 = arith.constant 0 : i32
        %dma_wait3A_347 = arith.constant 0 : i32
        %dma_wait3A_348 = tpu.memref_slice %arg10[%dma_wait3A_345, %dma_wait3A_346, %dma_wait3A_347] : memref<2x200x128xf32, #tpu.memory_space<vmem>> -> memref<1x128x128xf32, #tpu.memory_space<vmem>>
        %dma_wait3A_349 = tpu.memref_squeeze %dma_wait3A_348 : memref<1x128x128xf32, #tpu.memory_space<vmem>> -> memref<128x128xf32, #tpu.memory_space<vmem>>
        %dma_wait3A_350 = arith.constant 0 : i32
        %dma_wait3A_351 = tpu.memref_slice %arg7[%dma_wait3A_344, %dma_wait3A_350] : memref<32x200xi32, #tpu.memory_space<vmem>> -> memref<1x128xi32, #tpu.memory_space<vmem>>
        %dma_wait3A_352 = tpu.memref_squeeze %dma_wait3A_351 : memref<1x128xi32, #tpu.memory_space<vmem>> -> memref<128xi32, #tpu.memory_space<vmem>>
        %dma_wait3A_353 = arith.constant 0 : i32
        %dma_wait3A_354 = arith.constant 0 : i32
        %dma_wait3A_355 = tpu.memref_slice %arg4[%dma_wait3A_353, %dma_wait3A_354] : memref<1002x128xf32, #tpu.memory_space<hbm>> -> memref<1002x128xf32, #tpu.memory_space<hbm>>
        tpu.wait_indirect_dma semaphore(%arg13 : memref<!tpu.dma_semaphore, #tpu.memory_space<semaphore_mem>>) src(%dma_wait3A_355 : memref<1002x128xf32, #tpu.memory_space<hbm>>) dst(%dma_wait3A_349 : memref<128x128xf32, #tpu.memory_space<vmem>>)
        %dma_wait3A_356 = arith.constant 0 : i32
        %dma_wait3A_357 = arith.constant 1 : i32
        %dma_wait3A_358 = arith.constant 128 : i32
        %dma_wait3A_359 = arith.constant 0 : i32
        %dma_wait3A_360 = tpu.memref_slice %arg10[%dma_wait3A_357, %dma_wait3A_358, %dma_wait3A_359] : memref<2x200x128xf32, #tpu.memory_space<vmem>> -> memref<1x72x128xf32, #tpu.memory_space<vmem>>
        %dma_wait3A_361 = tpu.memref_squeeze %dma_wait3A_360 : memref<1x72x128xf32, #tpu.memory_space<vmem>> -> memref<72x128xf32, #tpu.memory_space<vmem>>
        %dma_wait3A_362 = arith.constant 128 : i32
        %dma_wait3A_363 = tpu.memref_slice %arg7[%dma_wait3A_356, %dma_wait3A_362] : memref<32x200xi32, #tpu.memory_space<vmem>> -> memref<1x72xi32, #tpu.memory_space<vmem>>
        %dma_wait3A_364 = tpu.memref_squeeze %dma_wait3A_363 : memref<1x72xi32, #tpu.memory_space<vmem>> -> memref<72xi32, #tpu.memory_space<vmem>>
        %dma_wait3A_365 = arith.constant 0 : i32
        %dma_wait3A_366 = arith.constant 0 : i32
        %dma_wait3A_367 = tpu.memref_slice %arg4[%dma_wait3A_365, %dma_wait3A_366] : memref<1002x128xf32, #tpu.memory_space<hbm>> -> memref<1002x128xf32, #tpu.memory_space<hbm>>
        tpu.wait_indirect_dma semaphore(%arg13 : memref<!tpu.dma_semaphore, #tpu.memory_space<semaphore_mem>>) src(%dma_wait3A_367 : memref<1002x128xf32, #tpu.memory_space<hbm>>) dst(%dma_wait3A_361 : memref<72x128xf32, #tpu.memory_space<vmem>>)
        %add3A_368 = arith.addi %add3A_14, %add3A_255 : i32
        %dma_start3A_369 = arith.constant 1 : i32
        %dma_start3A_370 = arith.constant 0 : i32
        %dma_start3A_371 = arith.constant 0 : i32
        %dma_start3A_372 = tpu.memref_slice %arg10[%dma_start3A_369, %dma_start3A_370, %dma_start3A_371] : memref<2x200x128xf32, #tpu.memory_space<vmem>> -> memref<1x200x128xf32, #tpu.memory_space<vmem>>
        %dma_start3A_373 = tpu.memref_squeeze %dma_start3A_372 : memref<1x200x128xf32, #tpu.memory_space<vmem>> -> memref<200x128xf32, #tpu.memory_space<vmem>>
        %dma_start3A_374 = arith.constant 0 : i32
        %dma_start3A_375 = arith.constant 0 : i32
        %dma_start3A_376 = tpu.memref_slice %arg6[%add3A_368, %dma_start3A_374, %dma_start3A_375] : memref<4096x200x144xf32, #tpu.memory_space<hbm>> -> memref<1x200x128xf32, #tpu.memory_space<hbm>>
        %dma_start3A_377 = tpu.memref_squeeze %dma_start3A_376 : memref<1x200x128xf32, #tpu.memory_space<hbm>> -> memref<200x128xf32, #tpu.memory_space<hbm>>
        %dma_start3A_378 = arith.constant 0 : i32
        %dma_start3A_379 = arith.constant 0 : i32
        %dma_start3A_380 = tpu.memref_slice %arg6[%add3A_368, %dma_start3A_378, %dma_start3A_379] : memref<4096x200x144xf32, #tpu.memory_space<hbm>> -> memref<1x200x128xf32, #tpu.memory_space<hbm>>
        %dma_start3A_381 = tpu.memref_squeeze %dma_start3A_380 : memref<1x200x128xf32, #tpu.memory_space<hbm>> -> memref<200x128xf32, #tpu.memory_space<hbm>>
        %dma_start3A_382 = arith.constant 0 : i32
        %dma_start3A_383 = arith.constant 0 : i32
        %dma_start3A_384 = tpu.memref_slice %arg10[%dma_start3A_369, %dma_start3A_382, %dma_start3A_383] : memref<2x200x128xf32, #tpu.memory_space<vmem>> -> memref<1x200x128xf32, #tpu.memory_space<vmem>>
        %dma_start3A_385 = tpu.memref_squeeze %dma_start3A_384 : memref<1x200x128xf32, #tpu.memory_space<vmem>> -> memref<200x128xf32, #tpu.memory_space<vmem>>
        tpu.enqueue_dma source(%dma_start3A_385 : memref<200x128xf32, #tpu.memory_space<vmem>>) target(%dma_start3A_381 : memref<200x128xf32, #tpu.memory_space<hbm>>) target_semaphore(%arg15 : memref<!tpu.dma_semaphore, #tpu.memory_space<semaphore_mem>>)
        %dma_start3A_386 = arith.constant 1 : i32
        %dma_start3A_387 = arith.constant 0 : i32
        %dma_start3A_388 = arith.constant 0 : i32
        %dma_start3A_389 = tpu.memref_slice %arg11[%dma_start3A_386, %dma_start3A_387, %dma_start3A_388] : memref<2x200x16xf32, #tpu.memory_space<vmem>> -> memref<1x200x16xf32, #tpu.memory_space<vmem>>
        %dma_start3A_390 = tpu.memref_squeeze %dma_start3A_389 : memref<1x200x16xf32, #tpu.memory_space<vmem>> -> memref<200x16xf32, #tpu.memory_space<vmem>>
        %dma_start3A_391 = arith.constant 0 : i32
        %dma_start3A_392 = arith.constant 128 : i32
        %dma_start3A_393 = tpu.memref_slice %arg6[%add3A_368, %dma_start3A_391, %dma_start3A_392] : memref<4096x200x144xf32, #tpu.memory_space<hbm>> -> memref<1x200x16xf32, #tpu.memory_space<hbm>>
        %dma_start3A_394 = tpu.memref_squeeze %dma_start3A_393 : memref<1x200x16xf32, #tpu.memory_space<hbm>> -> memref<200x16xf32, #tpu.memory_space<hbm>>
        %dma_start3A_395 = arith.constant 0 : i32
        %dma_start3A_396 = arith.constant 128 : i32
        %dma_start3A_397 = tpu.memref_slice %arg6[%add3A_368, %dma_start3A_395, %dma_start3A_396] : memref<4096x200x144xf32, #tpu.memory_space<hbm>> -> memref<1x200x16xf32, #tpu.memory_space<hbm>>
        %dma_start3A_398 = tpu.memref_squeeze %dma_start3A_397 : memref<1x200x16xf32, #tpu.memory_space<hbm>> -> memref<200x16xf32, #tpu.memory_space<hbm>>
        %dma_start3A_399 = arith.constant 0 : i32
        %dma_start3A_400 = arith.constant 0 : i32
        %dma_start3A_401 = tpu.memref_slice %arg11[%dma_start3A_386, %dma_start3A_399, %dma_start3A_400] : memref<2x200x16xf32, #tpu.memory_space<vmem>> -> memref<1x200x16xf32, #tpu.memory_space<vmem>>
        %dma_start3A_402 = tpu.memref_squeeze %dma_start3A_401 : memref<1x200x16xf32, #tpu.memory_space<vmem>> -> memref<200x16xf32, #tpu.memory_space<vmem>>
        tpu.enqueue_dma source(%dma_start3A_402 : memref<200x16xf32, #tpu.memory_space<vmem>>) target(%dma_start3A_398 : memref<200x16xf32, #tpu.memory_space<hbm>>) target_semaphore(%arg15 : memref<!tpu.dma_semaphore, #tpu.memory_space<semaphore_mem>>)
        %dma_wait3A_403 = arith.constant 1 : i32
        %dma_wait3A_404 = arith.constant 0 : i32
        %dma_wait3A_405 = arith.constant 0 : i32
        %dma_wait3A_406 = arith.constant 0 : i32
        %dma_wait3A_407 = tpu.memref_slice %arg10[%dma_wait3A_403, %dma_wait3A_405, %dma_wait3A_406] : memref<2x200x128xf32, #tpu.memory_space<vmem>> -> memref<1x200x128xf32, #tpu.memory_space<vmem>>
        %dma_wait3A_408 = tpu.memref_squeeze %dma_wait3A_407 : memref<1x200x128xf32, #tpu.memory_space<vmem>> -> memref<200x128xf32, #tpu.memory_space<vmem>>
        %dma_wait3A_409 = arith.constant 0 : i32
        %dma_wait3A_410 = arith.constant 0 : i32
        %dma_wait3A_411 = tpu.memref_slice %arg6[%dma_wait3A_404, %dma_wait3A_409, %dma_wait3A_410] : memref<4096x200x144xf32, #tpu.memory_space<hbm>> -> memref<1x200x128xf32, #tpu.memory_space<hbm>>
        %dma_wait3A_412 = tpu.memref_squeeze %dma_wait3A_411 : memref<1x200x128xf32, #tpu.memory_space<hbm>> -> memref<200x128xf32, #tpu.memory_space<hbm>>
        %dma_wait3A_413 = arith.constant 0 : i32
        %dma_wait3A_414 = arith.constant 0 : i32
        %dma_wait3A_415 = tpu.memref_slice %arg6[%dma_wait3A_404, %dma_wait3A_413, %dma_wait3A_414] : memref<4096x200x144xf32, #tpu.memory_space<hbm>> -> memref<1x200x128xf32, #tpu.memory_space<hbm>>
        %dma_wait3A_416 = tpu.memref_squeeze %dma_wait3A_415 : memref<1x200x128xf32, #tpu.memory_space<hbm>> -> memref<200x128xf32, #tpu.memory_space<hbm>>
        %dma_wait3A_417 = arith.constant 0 : i32
        %dma_wait3A_418 = arith.constant 0 : i32
        %dma_wait3A_419 = tpu.memref_slice %arg10[%dma_wait3A_403, %dma_wait3A_417, %dma_wait3A_418] : memref<2x200x128xf32, #tpu.memory_space<vmem>> -> memref<1x200x128xf32, #tpu.memory_space<vmem>>
        %dma_wait3A_420 = tpu.memref_squeeze %dma_wait3A_419 : memref<1x200x128xf32, #tpu.memory_space<vmem>> -> memref<200x128xf32, #tpu.memory_space<vmem>>
        tpu.wait_dma2 semaphore(%arg15 : memref<!tpu.dma_semaphore, #tpu.memory_space<semaphore_mem>>) src(%dma_wait3A_420 : memref<200x128xf32, #tpu.memory_space<vmem>>) dst(%dma_wait3A_416 : memref<200x128xf32, #tpu.memory_space<hbm>>)
        %dma_wait3A_421 = arith.constant 1 : i32
        %dma_wait3A_422 = arith.constant 0 : i32
        %dma_wait3A_423 = arith.constant 0 : i32
        %dma_wait3A_424 = arith.constant 0 : i32
        %dma_wait3A_425 = tpu.memref_slice %arg11[%dma_wait3A_421, %dma_wait3A_423, %dma_wait3A_424] : memref<2x200x16xf32, #tpu.memory_space<vmem>> -> memref<1x200x16xf32, #tpu.memory_space<vmem>>
        %dma_wait3A_426 = tpu.memref_squeeze %dma_wait3A_425 : memref<1x200x16xf32, #tpu.memory_space<vmem>> -> memref<200x16xf32, #tpu.memory_space<vmem>>
        %dma_wait3A_427 = arith.constant 0 : i32
        %dma_wait3A_428 = arith.constant 128 : i32
        %dma_wait3A_429 = tpu.memref_slice %arg6[%dma_wait3A_422, %dma_wait3A_427, %dma_wait3A_428] : memref<4096x200x144xf32, #tpu.memory_space<hbm>> -> memref<1x200x16xf32, #tpu.memory_space<hbm>>
        %dma_wait3A_430 = tpu.memref_squeeze %dma_wait3A_429 : memref<1x200x16xf32, #tpu.memory_space<hbm>> -> memref<200x16xf32, #tpu.memory_space<hbm>>
        %dma_wait3A_431 = arith.constant 0 : i32
        %dma_wait3A_432 = arith.constant 128 : i32
        %dma_wait3A_433 = tpu.memref_slice %arg6[%dma_wait3A_422, %dma_wait3A_431, %dma_wait3A_432] : memref<4096x200x144xf32, #tpu.memory_space<hbm>> -> memref<1x200x16xf32, #tpu.memory_space<hbm>>
        %dma_wait3A_434 = tpu.memref_squeeze %dma_wait3A_433 : memref<1x200x16xf32, #tpu.memory_space<hbm>> -> memref<200x16xf32, #tpu.memory_space<hbm>>
        %dma_wait3A_435 = arith.constant 0 : i32
        %dma_wait3A_436 = arith.constant 0 : i32
        %dma_wait3A_437 = tpu.memref_slice %arg11[%dma_wait3A_421, %dma_wait3A_435, %dma_wait3A_436] : memref<2x200x16xf32, #tpu.memory_space<vmem>> -> memref<1x200x16xf32, #tpu.memory_space<vmem>>
        %dma_wait3A_438 = tpu.memref_squeeze %dma_wait3A_437 : memref<1x200x16xf32, #tpu.memory_space<vmem>> -> memref<200x16xf32, #tpu.memory_space<vmem>>
        tpu.wait_dma2 semaphore(%arg15 : memref<!tpu.dma_semaphore, #tpu.memory_space<semaphore_mem>>) src(%dma_wait3A_438 : memref<200x16xf32, #tpu.memory_space<vmem>>) dst(%dma_wait3A_434 : memref<200x16xf32, #tpu.memory_space<hbm>>)
        %add3A_439 = arith.constant 2 : i32
        %add3A_440 = arith.addi %add3A_255, %add3A_439 : i32
        %lt3A_441 = arith.constant 32 : i32
        %lt3A_442 = arith.cmpi slt, %add3A_440, %lt3A_441 : i32
        %convert_element_type3A_443 = arith.extui %lt3A_442 : i1 to i32
        %cond3A_444 = arith.constant 0 : i32
        %cond3A_445 = arith.cmpi ne, %convert_element_type3A_443, %cond3A_444 : i32
        scf.if %cond3A_445 {
          %add3A_446 = arith.constant 2 : i32
          %add3A_447 = arith.addi %add3A_255, %add3A_446 : i32
          %dma_start3A_448 = arith.constant 1 : i32
          %dma_start3A_449 = arith.constant 0 : i32
          %dma_start3A_450 = arith.constant 0 : i32
          %dma_start3A_451 = tpu.memref_slice %arg10[%dma_start3A_448, %dma_start3A_449, %dma_start3A_450] : memref<2x200x128xf32, #tpu.memory_space<vmem>> -> memref<1x128x128xf32, #tpu.memory_space<vmem>>
          %dma_start3A_452 = tpu.memref_squeeze %dma_start3A_451 : memref<1x128x128xf32, #tpu.memory_space<vmem>> -> memref<128x128xf32, #tpu.memory_space<vmem>>
          %dma_start3A_453 = arith.constant 0 : i32
          %dma_start3A_454 = tpu.memref_slice %arg7[%add3A_447, %dma_start3A_453] : memref<32x200xi32, #tpu.memory_space<vmem>> -> memref<1x128xi32, #tpu.memory_space<vmem>>
          %dma_start3A_455 = tpu.memref_squeeze %dma_start3A_454 : memref<1x128xi32, #tpu.memory_space<vmem>> -> memref<128xi32, #tpu.memory_space<vmem>>
          %dma_start3A_456 = arith.constant 0 : i32
          %dma_start3A_457 = arith.constant 0 : i32
          %dma_start3A_458 = tpu.memref_slice %arg4[%dma_start3A_456, %dma_start3A_457] : memref<1002x128xf32, #tpu.memory_space<hbm>> -> memref<1002x128xf32, #tpu.memory_space<hbm>>
          tpu.enqueue_indirect_dma source(%dma_start3A_458 : memref<1002x128xf32, #tpu.memory_space<hbm>>) target(%dma_start3A_452 : memref<128x128xf32, #tpu.memory_space<vmem>>) offsets(%dma_start3A_455 : memref<128xi32, #tpu.memory_space<vmem>>) semaphore(%arg13 : memref<!tpu.dma_semaphore, #tpu.memory_space<semaphore_mem>>)
          %dma_start3A_459 = arith.constant 1 : i32
          %dma_start3A_460 = arith.constant 128 : i32
          %dma_start3A_461 = arith.constant 0 : i32
          %dma_start3A_462 = tpu.memref_slice %arg10[%dma_start3A_459, %dma_start3A_460, %dma_start3A_461] : memref<2x200x128xf32, #tpu.memory_space<vmem>> -> memref<1x72x128xf32, #tpu.memory_space<vmem>>
          %dma_start3A_463 = tpu.memref_squeeze %dma_start3A_462 : memref<1x72x128xf32, #tpu.memory_space<vmem>> -> memref<72x128xf32, #tpu.memory_space<vmem>>
          %dma_start3A_464 = arith.constant 128 : i32
          %dma_start3A_465 = tpu.memref_slice %arg7[%add3A_447, %dma_start3A_464] : memref<32x200xi32, #tpu.memory_space<vmem>> -> memref<1x72xi32, #tpu.memory_space<vmem>>
          %dma_start3A_466 = tpu.memref_squeeze %dma_start3A_465 : memref<1x72xi32, #tpu.memory_space<vmem>> -> memref<72xi32, #tpu.memory_space<vmem>>
          %dma_start3A_467 = arith.constant 0 : i32
          %dma_start3A_468 = arith.constant 0 : i32
          %dma_start3A_469 = tpu.memref_slice %arg4[%dma_start3A_467, %dma_start3A_468] : memref<1002x128xf32, #tpu.memory_space<hbm>> -> memref<1002x128xf32, #tpu.memory_space<hbm>>
          tpu.enqueue_indirect_dma source(%dma_start3A_469 : memref<1002x128xf32, #tpu.memory_space<hbm>>) target(%dma_start3A_463 : memref<72x128xf32, #tpu.memory_space<vmem>>) offsets(%dma_start3A_466 : memref<72xi32, #tpu.memory_space<vmem>>) semaphore(%arg13 : memref<!tpu.dma_semaphore, #tpu.memory_space<semaphore_mem>>)
        } else {
        }
      }
      %scan3A_66 = arith.constant 16 : i32
    }
    %scan3A_6 = arith.constant 4 : i32
    return
  }
}

</mosaic_0001>

<sc_bundles>
// kernel: kernel.3.cloned.1.call-start
scs
__scs_entry_jumppad:
0x0: {  	(pc) =	sbr.rel $0x88, $3  }
0x1: {  	(tag) =	ssettag $0x0;
	lr =	simm.s32 $0x1  }
0x2: {  	[smem:$0x3F9D] =	sst lr;
	_ =	strace $0xD0000000  }
0x3: {  	_ = 	snop  }
0x4: {  	_ = 	snop  }
0x5: {  	_ = 	snop  }
0x6: {  	_ = 	snop  }
0x7: {  	_ = 	snop  }
__scs_overlays_trampoline_lowered:
0x8: {  	[smem:$0x3FAC] =	sst s0  }
0x9: {  	[smem:$0x3FAD] =	sst s1  }
0xa: {  	[smem:$0x3FAE] =	sst s2  }
0xb: {  	[smem:$0x3FAF] =	sst s3  }
0xc: {  	[smem:$0x3FB0] =	sst s4  }
0xd: {  	[smem:$0x3FB1] =	sst s5  }
0xe: {  	[smem:$0x3FB2] =	sst s6  }
0xf: {  	[smem:$0x3FB3] =	sst s7  }
0x10: {  	[smem:$0x3FB4] =	sst s8  }
0x11: {  	[smem:$0x3FB5] =	sst s9;
	s0 =	simm.s32 @!p0 $0x0  }
0x12: {  	s1 =	sld [smem:$0x3F9B];
	s0 =	simm.s32 @p0 $0x1  }
0x13: {  	[smem:$0x3FB6] =	sst s0;
	s0 =	simm.s32 @!p1 $0x0  }
0x14: {  	s2 =	sld [smem:$0x3F9A];
	s0 =	simm.s32 @p1 $0x1  }
0x15: {  	[smem:$0x3FB7] =	sst s0;
	s0 =	simm.s32 @!p2 $0x0  }
0x16: {  	s3 =	sld [smem:$0x3FDB];
	s0 =	simm.s32 @p2 $0x1  }
0x17: {  	s4 =	simm.s32 $0x1BF5;
	[smem:$0x3FB9] =	sst s0  }
0x18: {  	s0 =	sld [smem:$0x3F9C];
	_ =	swait.ge [sflag:s4], $0x0  }
0x19: {  	s7 =	sld [smem:$0x3F9D]  }
0x1a: {  	s8 =	sadd.s32 $0xFFFFE003, lr  }
0x1b: {  	s9 =	sadd.s32 $0xFFFFFEF7, lr;
	s5 =	simm.s32 $0xFFFFFFFF;
	p2 =	slt.u32 s8, $0xFFFFF086  }
0x1c: {  	p1 =	slt.u32 s9, $0xF7A;
	s5 =	simm.s32 @!p2 $0x0  }
0x1d: {  	s5 =	simm.s32 @p1 $0x1;
	p0 =	seq.s32 s7, s2  }
0x1e: {  	s7 =	smul.u32 @!p0 $0xF7A, s2;
	p2 =	seq.s32 @!p0 s5, $0x0  }
0x1f: {  	s9 =	smul.u32 $0xF7A, s1;
	s8 =	simm.s32 @!p0 $0x1BF5;
	p2 =	por !p2, p0  }
0x20: {  	[sflag:s8] =	ssyncset.s32 @!p0 $0xFFFFF086;
	s6 =	sadd.s32 @!p0 s3, s7;
	s7 =	simm.s32 @!p0 $0x108  }
0x21: {  	s3 =	sadd.s32 s3, s9;
	s6 =	sadd.s32 @!p0 $0x88, s6;
	s7 =	simm.s32 @p2 $0x1082  }
0x22: {  	[simem:s7], [sflag:s8] =	dma.local @!p0 [hbm:s6], $0xF7A  }
0x23: {  	s9 =	sor.u32 $0xD0000000, s2;
	s6 =	simm.s32 $0x108;
	_ =	swait.ge @!p0 [sflag:s8], $0x0  }
0x24: {  	s3 =	sadd.s32 $0x88, s3;
	s6 =	simm.s32 @!p1 $0x1082;
	[sflag:s4] =	ssyncset.s32 $0xFFFFF086  }
0x25: {  	[simem:s6], [sflag:s4] =	dma.local [hbm:s3], $0xF7A  }
0x26: {  	[smem:$0x3F9D] =	sst s1;
	(tag) =	ssettag s2;
	_ =	strace s9  }
0x27: {  	s1 =	sld [smem:$0x3FAD]  }
0x28: {  	s2 =	sld [smem:$0x3FAE]  }
0x29: {  	s4 =	sld [smem:$0x3FB0]  }
0x2a: {  	p0 =	seq.s32 s5, $0x0;
	s5 =	sld [smem:$0x3FB1]  }
0x2b: {  	s6 =	sld [smem:$0x3FB2]  }
0x2c: {  	s7 =	sld [smem:$0x3FB3]  }
0x2d: {  	s3 =	simm.s32 $0x108;
	s8 =	sld [smem:$0x3FB4]  }
0x2e: {  	s3 =	simm.s32 @!p0 $0x1082;
	s9 =	sld [smem:$0x3FB5]  }
0x2f: {  	lr =	sadd.s32 s0, s3;
	s0 =	sld [smem:$0x3FAC]  }
0x30: {  	s3 =	sld [smem:$0x3FAF]  }
0x31: {  	[smem:$0x3FB8] =	sst s10  }
0x32: {  	s10 =	sld [smem:$0x3FB6];
	_ =	sdelay $0x3  }
0x33: {  	p0 =	seq.s32 s10, $0x1;
	s10 =	sld [smem:$0x3FB8];
	_ =	sdelay $0x3  }
0x34: {  	[smem:$0x3FB8] =	sst s10  }
0x35: {  	s10 =	sld [smem:$0x3FB7];
	_ =	sdelay $0x3  }
0x36: {  	p1 =	seq.s32 s10, $0x1;
	s10 =	sld [smem:$0x3FB8];
	_ =	sdelay $0x3  }
0x37: {  	[smem:$0x3FB8] =	sst s10  }
0x38: {  	s10 =	sld [smem:$0x3FB9]  }
0x39: {  	_ = 	snop;
	(pc) =	sbr.ind lr, $3  }
0x3a: {  	_ = 	snop  }
0x3b: {  	_ = 	snop  }
0x3c: {  	p2 =	seq.s32 s10, $0x1;
	s10 =	sld [smem:$0x3FB8]  }
0x3d: {  	_ =	shalt  }
0x3e: {  	_ =	shalt  }
0x3f: {  	_ =	shalt  }
0x40: {  	_ =	shalt  }
0x41: {  	_ =	shalt  }
0x42: {  	_ =	shalt  }
0x43: {  	_ =	shalt  }
0x44: {  	_ =	shalt  }
0x45: {  	_ =	shalt  }
0x46: {  	_ =	shalt  }
0x47: {  	_ =	shalt  }
0x48: {  	_ =	shalt  }
0x49: {  	_ =	shalt  }
0x4a: {  	_ =	shalt  }
0x4b: {  	_ =	shalt  }
0x4c: {  	_ =	shalt  }
0x4d: {  	_ =	shalt  }
0x4e: {  	_ =	shalt  }
0x4f: {  	_ =	shalt  }
0x50: {  	_ =	shalt  }
0x51: {  	_ =	shalt  }
0x52: {  	_ =	shalt  }
0x53: {  	_ =	shalt  }
0x54: {  	_ =	shalt  }
0x55: {  	_ =	shalt  }
0x56: {  	_ =	shalt  }
0x57: {  	_ =	shalt  }
0x58: {  	_ =	shalt  }
0x59: {  	_ =	shalt  }
0x5a: {  	_ =	shalt  }
0x5b: {  	_ =	shalt  }
0x5c: {  	_ =	shalt  }
0x5d: {  	_ =	shalt  }
0x5e: {  	_ =	shalt  }
0x5f: {  	_ =	shalt  }
0x60: {  	_ =	shalt  }
0x61: {  	_ =	shalt  }
0x62: {  	_ =	shalt  }
0x63: {  	_ =	shalt  }
0x64: {  	_ =	shalt  }
0x65: {  	_ =	shalt  }
0x66: {  	_ =	shalt  }
0x67: {  	_ =	shalt  }
0x68: {  	_ =	shalt  }
0x69: {  	_ =	shalt  }
0x6a: {  	_ =	shalt  }
0x6b: {  	_ =	shalt  }
0x6c: {  	_ =	shalt  }
0x6d: {  	_ =	shalt  }
0x6e: {  	_ =	shalt  }
0x6f: {  	_ =	shalt  }
0x70: {  	_ =	shalt  }
0x71: {  	_ =	shalt  }
0x72: {  	_ =	shalt  }
0x73: {  	_ =	shalt  }
0x74: {  	_ =	shalt  }
0x75: {  	_ =	shalt  }
0x76: {  	_ =	shalt  }
0x77: {  	_ =	shalt  }
0x78: {  	_ =	shalt  }
0x79: {  	_ =	shalt  }
0x7a: {  	_ =	shalt  }
0x7b: {  	_ =	shalt  }
0x7c: {  	_ =	shalt  }
0x7d: {  	_ =	shalt  }
0x7e: {  	_ =	shalt  }
0x7f: {  	_ =	shalt  }
0x80: {  	_ =	shalt  }
0x81: {  	_ =	shalt  }
0x82: {  	_ =	shalt  }
0x83: {  	_ =	shalt  }
0x84: {  	_ =	shalt  }
0x85: {  	_ =	shalt  }
0x86: {  	_ =	shalt  }
0x87: {  	_ =	shalt  }
.Lfunc_end0:
.L_simem_size_0:
called_computation_lowered:
.L_overlay_start_0:
0x88: {  	s2 =	sld [smem:$0x3FD9]  }
0x89: {  	s3 =	sld [smem:$0x3FFE];
	_ =	sdelay $0x1  }
0x8a: {  	s1 =	srdreg.scid  }
0x8b: {  	s0 =	sand.u32 $0x1, s1  }
0x8c: {  	s17 =	sshll.u32 s0, $0xA;
	s2 =	sadd.s32 s3, s2  }
0x8d: {  	s2 =	sadd.s32 s2, s17  }
0x8e: {  	[smem:$0x3FC4] =	sst s2  }
0x8f: {  	_ = 	snop  }
0x90: {  	s2 =	sld [smem:$0x3FC7]  }
0x91: {  	s18 =	sld [smem:$0x3FD0];
	(tm) =	ssettm $0x1  }
0x92: {  	s4 =	sld [smem:$0x3FFB];
	_ =	sdelay $0x3  }
0x93: {  	_ =	strace s4  }
0x94: {  	s4 =	sld [smem:$0x3FFC];
	_ =	sdelay $0x3  }
0x95: {  	_ =	strace s4  }
0x96: {  	s4 =	sld [smem:$0x3FFD];
	_ =	sdelay $0x3  }
0x97: {  	_ =	strace s4  }
0x98: {  	_ =	strace $0x8FFFFFFF  }
0x99: {  	s19 =	sld [smem:$0x3FDB];
	_ =	sdelay $0x1  }
0x9a: {  	s5 =	simm.s32 $_scs_section_size  }
0x9b: {  	s6 =	simm.s32 $_size__tile_overlayer_lowered;
	s7 =	simm.s32 $_tile_overlayer_lowered  }
0x9c: {  	s22 =	simm.s32 $0x1BFF;
	s21 =	sshll.u32 s7, $0x1;
	s4 =	sadd.s32 s5, s19  }
0x9d: {  	s8 =	simm.s32 $0x0;
	s20 =	sshll.u32 s6, $0x1;
	s6 =	sadd.s32 s21, s4  }
0x9e: {  	[timem:s8], [sflag:s22] =	dma.local [hbm:s6], s20  }
0x9f: {  	_ =	swait.ge [sflag:s22], s20  }
0xa0: {  	s5 =	ssub.s32 $0x0, s20;
	[sflag:s22] =	ssyncset.done $0x0  }
0xa1: {  	[sflag:s22] =	ssyncadd.s32 s5;
	_ =	sdelay $0x1  }
0xa2: {  	s23 =	simm.s32 $0x1B8B  }
0xa3: {  	_ =	swait.ge [sflag:s23], $0x1  }
0xa4: {  	[sflag:s23] =	ssyncset.done $0x0  }
0xa5: {  	s25 =	simm.s32 $0x1B8E;
	s24 =	sld [smem:$0x3FFE];
	[sflag:s23] =	ssyncadd.s32 $0xFFFFFFFF  }
0xa6: {  	s26 =	simm.s32 $execute0_lowered;
	[smem:$0x3FD2] =	sst s25  }
0xa7: {  	s6 =	sshll.u32 s26, $0x1;
	_ =	strace $0x80000046;
	[dreg:$0x1] =	wrdreg $0xFFFFFFFF  }
0xa8: {  	s28 =	simm.s32 $_size_execute0_lowered;
	s4 =	sadd.s32 s4, s6;
	[dreg:$0x0] =	wrdreg $0x0  }
0xa9: {  	s6 =	sshll.u32 s28, $0x1;
	[dreg:$0x2] =	wrdreg s4  }
0xaa: {  	[dreg:$0x3] =	wrdreg s6  }
0xab: {  	[dreg:$0x4] =	wrdreg $0xC0  }
0xac: {  	_ =	task [dreg:s8], $0x5FFFF  }
0xad: {  	[dreg:$0x1] =	wrdreg $0xFFFFFFFF  }
0xae: {  	[dreg:$0x0] =	wrdreg $0x60  }
0xaf: {  	[dreg:$0x2] =	wrdreg s18  }
0xb0: {  	[dreg:$0x3] =	wrdreg s24  }
0xb1: {  	[dreg:$0x4] =	wrdreg s2  }
0xb2: {  	[dreg:$0x5] =	wrdreg $0x9  }
0xb3: {  	_ =	task.clear_ibuf [dreg:s8], $0x6FFFF;
	_ =	strace $0x90000046  }
0xb4: {  	s29 =	simm.s32 $0x9;
	_ =	strace $0x80000048  }
0xb5: {  	_ =	swait.ge [sflag:s29], $0x1  }
0xb6: {  	[sflag:s29] =	ssyncadd.s32 $0xFFFFFFFF  }
0xb7: {  	_ =	strace $0x90000048  }
0xb8: {  	_ =	sfence  }
0xb9: {  	s30 =	sld [smem:$0x0];
	_ =	sdelay $0x2  }
0xba: {  	s31 =	sshll.u32 s1, $0xD;
	s1 =	sshrl.u32 s1, $0x2  }
0xbb: {  	s3 =	sand.u32 $0x4000, s31;
	s1 =	sadd.s32 s1, s30  }
0xbc: {  	s0 =	sor.u32 s3, s0;
	s1 =	sshll.u32 s1, $0x11  }
0xbd: {  	s0 =	sor.u32 s1, s0  }
0xbe: {  	s0 =	sadd.s32 $0x8F2B, s0  }
0xbf: {  	[sflag:s0] =	ssyncadd.remote.s32 $0x1  }
0xc0: {  	_ =	sfence.sel $0xFFFF  }
0xc1: {  	[dreg:$0x0] =	wrdreg $0xFFFFFFFF;
	(pc) =	sbr.abs _section_cstart, $3  }
0xc2: {  	[dreg:$0x1] =	wrdreg $0xFFFFFFFF  }
0xc3: {  	_ =	task.clear_ibuf [dreg:s8], $0x2FFFF;
	_ =	strace $0x9FFFFFFF  }
0xc4: {  	(tm) =	ssettm $0x7FFFFFFF  }
0xc5: {  	_ =	shalt  }
tec
execute0_lowered:
.L_overlay_start_1:
0x0: {  	(tag) =	ssettag $0x1  }
0x1: {  	s0 =	rddreg [dreg:$0x1]  }
0x2: {  	s2 =	rddreg [dreg:$0x2];
	s1 =	simm.s32 $0x0;
	s25 =	srdreg.scid  }
0x3: {  	s5 =	stileid.u32;
	s11 =	simm.s32 $0x4000;
	s14 =	simm.s32 $0x80  }
0x4: {  	s15 =	simm.s32 $0x4C00;
	s16 =	simm.s32 $0x48;
	s17 =	simm.s32 $0x400  }
0x5: {  	s19 =	simm.s32 $0xB000;
	s21 =	simm.s32 $0xF000;
	s22 =	simm.s32 $0x1  }
0x6: {  	s23 =	simm.s32 $0x800;
	s24 =	simm.s32 $0x11400;
	s28 =	simm.s32 $0x17800  }
0x7: {  	s29 =	simm.s32 $0x4;
	[smem:$0x7FF] =	sst s1;
	s3 =	sadd.s32 $0x800, s0  }
0x8: {  	s1 =	sand.u32 $0x1, s25;
	s26 =	sadd.s32 $0x600, s0;
	s5 =	sshll.u32 s5, $0x8  }
0x9: {  	s7 =	sadd.s32 $0x20800, s0;
	s9 =	sadd.s32 $0x20880, s0;
	s25 =	simm.s32 $0x3  }
.Ltmp0:
0xa: {  	_ =	strace $0x80000047;
	s30 =	ssub.s32 $0x2, s1;
	(pc) =	sbr.rel .LBB2_1-.Ltmp0, $4  }
0xb: {  	[dreg:$0x4] =	wrdreg s3;
	s1 =	sshll.u32 s1, $0x7;
	s4 =	sshrl.u32 s30, $0x1  }
0xc: {  	[dreg:$0x5] =	wrdreg s26;
	s1 =	sor.u32 s1, s5;
	s3 =	ssub.s32 s30, s4  }
0xd: {  	s26 =	simm.s32 $0x2;
	[dreg:$0x6] =	wrdreg s1;
	s31 =	smax.u32 s3, $0x1  }
0xe: {  	v0 =	vlaneseq.u32;
	s1 =	simm.s32 $0x0;
	s4 =	simm.s32 $0x0;
	[dreg:$0x7] =	wrdreg s31  }
.LBB2_10:
0xf: {  	s1 =	rddreg [dreg:$0x8]  }
0x10: {  	s0 =	rddreg [dreg:$0x7];
	s1 =	sadd.s32 $0x1, s1  }
0x11: {  	p0 =	sne.s32 s1, s0  }
.Ltmp1:
0x12: {  	_ = 	snop;
	(pc) =	sbr.rel @!p0 .LBB2_11-.Ltmp1, $1  }
0x13: {  	_ =	sdelay $0x3  }
.LBB2_1:
0x14: {  	[dreg:$0x8] =	wrdreg s1;
	s0 =	simm.s32 $0x0  }
.Ltmp2:
0x15: {  	s20 =	rddreg [dreg:$0x5];
	s30 =	simm.s32 $0x5;
	(pc) =	sbr.rel .LBB2_2-.Ltmp2, $4  }
0x16: {  	[tilespmem:s11], [sflag:$0x5] =	stream.linear.gather [hbm4b:s20+s0], $0xC00, $0x38;
	[tilespmem:$0x1DC00] =	vst v63  }
0x17: {  	_ =	swait.ge [sflag:s30], $0xC00  }
0x18: {  	[sflag:s30] =	ssyncset.done $0x0  }
0x19: {  	s31 =	simm.s32 $0x0;
	[sflag:s30] =	ssyncadd.s32 $0xFFFFF400  }
.LBB2_9:
0x1a: {  	s31 =	sadd.s32 $0x1, s31  }
0x1b: {  	p0 =	sne.s32 s31, $0x4  }
.Ltmp3:
0x1c: {  	_ = 	snop;
	(pc) =	sbr.rel @!p0 .LBB2_10-.Ltmp3, $1  }
0x1d: {  	_ =	sdelay $0x3  }
.LBB2_2:
0x1e: {  	s0 =	sshll.u32 s31, $0x5;
	s1 =	rddreg [dreg:$0x6]  }
0x1f: {  	s0 =	sadd.s32 s1, s0  }
0x20: {  	s3 =	rddreg [dreg:$0x0];
	s1 =	sshll.u32 s0, $0x5  }
0x21: {  	s5 =	simm.s32 $0x5;
	s3 =	sadd.s32 s3, s1  }
0x22: {  	[tilespmem:s4], [sflag:$0x5] =	stream.linear.gather [hbm4b:s3+s4], $0x2000, $0x38;
	[tilespmem:$0x1DC00] =	vst v63  }
0x23: {  	_ =	swait.ge [sflag:s5], $0x2000  }
0x24: {  	[sflag:s5] =	ssyncset.done $0x0;
	s13 =	rddreg [dreg:$0x4]  }
0x25: {  	s18 =	simm.s32 $0x2000;
	[sflag:s5] =	ssyncadd.s32 $0xFFFFE000;
	s1 =	sadd.s32 s13, s1  }
0x26: {  	[tilespmem:s18], [sflag:$0x5] =	stream.linear.gather [hbm4b:s1+s4], $0x2000, $0x38;
	[tilespmem:$0x1DC00] =	vst v63  }
0x27: {  	_ =	swait.ge [sflag:s5], $0x2000  }
0x28: {  	[sflag:s5] =	ssyncset.done $0x0  }
0x29: {  	[sflag:s5] =	ssyncadd.s32 $0xFFFFE000  }
0x2a: {  	[tilespmem:s15], [sflag:$0x1] =	stream.indirect.gather [hbm4b:s2+s14], $0x80, s4, s14, $0xb8;
	[tilespmem:$0x1DC00] =	vst v63  }
0x2b: {  	s20 =	simm.s32 $0x8C00  }
0x2c: {  	[tilespmem:s20], [sflag:$0x1] =	stream.indirect.gather [hbm4b:s2+s16], $0x80, s17, s16, $0xb8;
	[tilespmem:$0x1DC00] =	vst v63  }
0x2d: {  	_ = 	snop  }
0x2e: {  	[tilespmem:s19], [sflag:$0x2] =	stream.indirect.gather [hbm4b:s2+s14], $0x80, s14, s14, $0xb8;
	[tilespmem:$0x1DC00] =	vst v63  }
0x2f: {  	s30 =	simm.s32 $0x480;
	s3 =	simm.s32 $0x0  }
0x30: {  	[tilespmem:s21], [sflag:$0x2] =	stream.indirect.gather [hbm4b:s2+s16], $0x80, s30, s16, $0xb8;
	[tilespmem:$0x1DC00] =	vst v63  }
.LBB2_3:
0x31: {  	s1 =	sshll.u32 s3, $0x9  }
0x32: {  	s5 =	sshll.u32 s3, $0x8;
	s1 =	sand.u32 $0x1800, s1  }
0x33: {  	s5 =	sand.u32 $0x300, s5;
	s10 =	sor.u32 $0x2000, s1  }
0x34: {  	s13 =	sand.u32 $0x400, s4;
	s6 =	sor.u32 s5, s10  }
0x35: {  	s18 =	sand.u32 $0x70, s4;
	s1 =	sadd.s32 s13, s6  }
0x36: {  	s1 =	sadd.s32 s18, s1  }
0x37: {  	v1 =	vld [tilespmem:s1+$0x0];
	_ =	sdelay $0x4  }
0x38: {  	v1 =	vshll.u32 v1, $0x7  }
0x39: {  	v2 =	vbroadcast v1, $0x0;
	_ =	sdelay $0x1  }
0x3a: {  	v2 =	vor.u32 v0, v2;
	_ =	sdelay $0x3  }
0x3b: {  	v3 =	vbroadcast v1, $0x1  }
0x3c: {  	v2 =	vld.idx.msk [tilespmem:v2+s11+$0x0], $0xffff  }
0x3d: {  	v3 =	vor.u32 v0, v3;
	_ =	sdelay $0x2  }
0x3e: {  	s30 =	simm.s32 $0x11800  }
0x3f: {  	v4 =	vbroadcast v1, $0x2;
	[tilespmem:s30+$0xFFFFFC00] =	vst v2  }
0x40: {  	v2 =	vld.idx.msk [tilespmem:v3+s11+$0x0], $0xffff  }
0x41: {  	v3 =	vor.u32 v0, v4;
	_ =	sdelay $0x3  }
0x42: {  	v52 =	vbroadcast v1, $0x3;
	[tilespmem:s30+$0xFFFFFC80] =	vst v2  }
0x43: {  	v2 =	vld.idx.msk [tilespmem:v3+s11+$0x0], $0xffff  }
0x44: {  	v3 =	vor.u32 v0, v52;
	_ =	sdelay $0x3  }
0x45: {  	v53 =	vbroadcast v1, $0x4;
	[tilespmem:s30+$0xFFFFFD00] =	vst v2  }
0x46: {  	v2 =	vld.idx.msk [tilespmem:v3+s11+$0x0], $0xffff  }
0x47: {  	v3 =	vor.u32 v0, v53;
	_ =	sdelay $0x3  }
0x48: {  	v54 =	vbroadcast v1, $0x5;
	[tilespmem:s30+$0xFFFFFD80] =	vst v2  }
0x49: {  	v2 =	vld.idx.msk [tilespmem:v3+s11+$0x0], $0xffff  }
0x4a: {  	v3 =	vor.u32 v0, v54;
	_ =	sdelay $0x3  }
0x4b: {  	v55 =	vbroadcast v1, $0x6;
	[tilespmem:s30+$0xFFFFFE00] =	vst v2  }
0x4c: {  	v2 =	vld.idx.msk [tilespmem:v3+s11+$0x0], $0xffff  }
0x4d: {  	v3 =	vor.u32 v0, v55;
	_ =	sdelay $0x3  }
0x4e: {  	v56 =	vbroadcast v1, $0x7;
	[tilespmem:s30+$0xFFFFFE80] =	vst v2  }
0x4f: {  	v2 =	vld.idx.msk [tilespmem:v3+s11+$0x0], $0xffff  }
0x50: {  	v3 =	vor.u32 v0, v56;
	_ =	sdelay $0x3  }
0x51: {  	v57 =	vbroadcast v1, $0x8;
	[tilespmem:s30+$0xFFFFFF00] =	vst v2  }
0x52: {  	v2 =	vld.idx.msk [tilespmem:v3+s11+$0x0], $0xffff  }
0x53: {  	v3 =	vor.u32 v0, v57;
	_ =	sdelay $0x3  }
0x54: {  	v58 =	vbroadcast v1, $0x9;
	[tilespmem:s30+$0xFFFFFF80] =	vst v2  }
0x55: {  	v2 =	vld.idx.msk [tilespmem:v3+s11+$0x0], $0xffff  }
0x56: {  	v3 =	vor.u32 v0, v58;
	_ =	sdelay $0x3  }
0x57: {  	v59 =	vbroadcast v1, $0xA;
	[tilespmem:s30+$0x0] =	vst v2  }
0x58: {  	v2 =	vld.idx.msk [tilespmem:v3+s11+$0x0], $0xffff  }
0x59: {  	v3 =	vor.u32 v0, v59;
	_ =	sdelay $0x3  }
0x5a: {  	v60 =	vbroadcast v1, $0xB;
	[tilespmem:s30+$0x80] =	vst v2  }
0x5b: {  	v2 =	vld.idx.msk [tilespmem:v3+s11+$0x0], $0xffff  }
0x5c: {  	v3 =	vor.u32 v0, v60;
	_ =	sdelay $0x3  }
0x5d: {  	v61 =	vbroadcast v1, $0xC;
	[tilespmem:s30+$0x100] =	vst v2  }
0x5e: {  	v2 =	vld.idx.msk [tilespmem:v3+s11+$0x0], $0xffff  }
0x5f: {  	v3 =	vor.u32 v0, v61;
	_ =	sdelay $0x3  }
0x60: {  	v62 =	vbroadcast v1, $0xD;
	[tilespmem:s30+$0x180] =	vst v2  }
0x61: {  	v2 =	vld.idx.msk [tilespmem:v3+s11+$0x0], $0xffff  }
0x62: {  	v3 =	vor.u32 v0, v62;
	_ =	sdelay $0x3  }
0x63: {  	v63 =	vbroadcast v1, $0xE;
	[tilespmem:s30+$0x200] =	vst v2  }
0x64: {  	v2 =	vld.idx.msk [tilespmem:v3+s11+$0x0], $0xffff  }
0x65: {  	v3 =	vor.u32 v0, v63;
	_ =	sdelay $0x3  }
0x66: {  	v1 =	vbroadcast v1, $0xF;
	[tilespmem:s30+$0x280] =	vst v2  }
0x67: {  	v2 =	vld.idx.msk [tilespmem:v3+s11+$0x0], $0xffff  }
0x68: {  	v1 =	vor.u32 v0, v1;
	_ =	sdelay $0x3  }
0x69: {  	[tilespmem:s30+$0x300] =	vst v2  }
0x6a: {  	v1 =	vld.idx.msk [tilespmem:v1+s11+$0x0], $0xffff  }
0x6b: {  	s1 =	simm.s32 $0x80  }
0x6c: {  	s20 =	simm.s32 $0x10;
	s8 =	sand.u32 $0x400, s1  }
0x6d: {  	s13 =	sand.u32 $0x70, s20;
	s18 =	simm.s32 $0x20;
	s8 =	sadd.s32 s8, s6  }
.LBB2_4:
0x6e: {  	s8 =	sadd.s32 s13, s8  }
0x6f: {  	[tilespmem:s30+$0x380] =	vst v1;
	s30 =	sadd.s32 $0x800, s30;
	s13 =	smov.u32 s18;
	s5 =	sadd.s32 $0x10, s18  }
0x70: {  	p0 =	sne.s32 s18, $0xB0;
	v1 =	vld [tilespmem:s8+$0x0];
	_ =	sdelay $0x4  }
0x71: {  	v1 =	vshll.u32 v1, $0x7  }
0x72: {  	v2 =	vbroadcast v1, $0x0;
	v3 =	vbroadcast v1, $0x1  }
0x73: {  	v4 =	vbroadcast v1, $0x2;
	v5 =	vbroadcast v1, $0x3  }
0x74: {  	v6 =	vbroadcast v1, $0x4;
	v7 =	vbroadcast v1, $0x5;
	v2 =	vor.u32 v0, v2  }
0x75: {  	v8 =	vbroadcast v1, $0x6;
	v9 =	vbroadcast v1, $0x7  }
0x76: {  	v10 =	vbroadcast v1, $0x8;
	v11 =	vbroadcast v1, $0x9  }
0x77: {  	v12 =	vbroadcast v1, $0xA;
	v13 =	vbroadcast v1, $0xB  }
0x78: {  	v14 =	vbroadcast v1, $0xC;
	v15 =	vbroadcast v1, $0xD  }
0x79: {  	v16 =	vld.idx.msk [tilespmem:v2+s11+$0x0], $0xffff;
	v2 =	vbroadcast v1, $0xE;
	v1 =	vbroadcast v1, $0xF;
	_ =	sdelay $0x1  }
0x7a: {  	v3 =	vor.u32 v0, v3;
	_ =	sdelay $0x3  }
0x7b: {  	[tilespmem:s30+$0xFFFFFC00] =	vst v16  }
0x7c: {  	v3 =	vld.idx.msk [tilespmem:v3+s11+$0x0], $0xffff;
	_ =	sdelay $0x1  }
0x7d: {  	v4 =	vor.u32 v0, v4;
	_ =	sdelay $0x3  }
0x7e: {  	[tilespmem:s30+$0xFFFFFC80] =	vst v3  }
0x7f: {  	v3 =	vld.idx.msk [tilespmem:v4+s11+$0x0], $0xffff;
	_ =	sdelay $0x1  }
0x80: {  	v4 =	vor.u32 v0, v5;
	_ =	sdelay $0x3  }
0x81: {  	[tilespmem:s30+$0xFFFFFD00] =	vst v3  }
0x82: {  	v3 =	vld.idx.msk [tilespmem:v4+s11+$0x0], $0xffff;
	_ =	sdelay $0x1  }
0x83: {  	v4 =	vor.u32 v0, v6;
	_ =	sdelay $0x3  }
0x84: {  	[tilespmem:s30+$0xFFFFFD80] =	vst v3  }
0x85: {  	v3 =	vld.idx.msk [tilespmem:v4+s11+$0x0], $0xffff;
	_ =	sdelay $0x1  }
0x86: {  	v4 =	vor.u32 v0, v7;
	_ =	sdelay $0x3  }
0x87: {  	[tilespmem:s30+$0xFFFFFE00] =	vst v3  }
0x88: {  	v3 =	vld.idx.msk [tilespmem:v4+s11+$0x0], $0xffff;
	_ =	sdelay $0x1  }
0x89: {  	v4 =	vor.u32 v0, v8;
	_ =	sdelay $0x3  }
0x8a: {  	[tilespmem:s30+$0xFFFFFE80] =	vst v3  }
0x8b: {  	v3 =	vld.idx.msk [tilespmem:v4+s11+$0x0], $0xffff;
	_ =	sdelay $0x1  }
0x8c: {  	v4 =	vor.u32 v0, v9;
	_ =	sdelay $0x3  }
0x8d: {  	[tilespmem:s30+$0xFFFFFF00] =	vst v3  }
0x8e: {  	v3 =	vld.idx.msk [tilespmem:v4+s11+$0x0], $0xffff;
	_ =	sdelay $0x1  }
0x8f: {  	v4 =	vor.u32 v0, v10;
	_ =	sdelay $0x3  }
0x90: {  	[tilespmem:s30+$0xFFFFFF80] =	vst v3  }
0x91: {  	v3 =	vld.idx.msk [tilespmem:v4+s11+$0x0], $0xffff;
	_ =	sdelay $0x1  }
0x92: {  	v4 =	vor.u32 v0, v11;
	_ =	sdelay $0x3  }
0x93: {  	[tilespmem:s30+$0x0] =	vst v3  }
0x94: {  	v3 =	vld.idx.msk [tilespmem:v4+s11+$0x0], $0xffff;
	_ =	sdelay $0x1  }
0x95: {  	v4 =	vor.u32 v0, v12;
	_ =	sdelay $0x3  }
0x96: {  	[tilespmem:s30+$0x80] =	vst v3  }
0x97: {  	v3 =	vld.idx.msk [tilespmem:v4+s11+$0x0], $0xffff;
	_ =	sdelay $0x1  }
0x98: {  	v4 =	vor.u32 v0, v13;
	_ =	sdelay $0x3  }
0x99: {  	[tilespmem:s30+$0x100] =	vst v3  }
0x9a: {  	v3 =	vld.idx.msk [tilespmem:v4+s11+$0x0], $0xffff;
	_ =	sdelay $0x1  }
0x9b: {  	v4 =	vor.u32 v0, v14;
	_ =	sdelay $0x3  }
0x9c: {  	[tilespmem:s30+$0x180] =	vst v3  }
0x9d: {  	v3 =	vld.idx.msk [tilespmem:v4+s11+$0x0], $0xffff;
	_ =	sdelay $0x1  }
0x9e: {  	v4 =	vor.u32 v0, v15;
	_ =	sdelay $0x3  }
0x9f: {  	[tilespmem:s30+$0x200] =	vst v3  }
0xa0: {  	v3 =	vld.idx.msk [tilespmem:v4+s11+$0x0], $0xffff;
	_ =	sdelay $0x1  }
0xa1: {  	v2 =	vor.u32 v0, v2;
	_ =	sdelay $0x3  }
0xa2: {  	[tilespmem:s30+$0x280] =	vst v3  }
0xa3: {  	v2 =	vld.idx.msk [tilespmem:v2+s11+$0x0], $0xffff;
	_ =	sdelay $0x1  }
0xa4: {  	v1 =	vor.u32 v0, v1;
	_ =	sdelay $0x3  }
0xa5: {  	[tilespmem:s30+$0x300] =	vst v2  }
0xa6: {  	v1 =	vld.idx.msk [tilespmem:v1+s11+$0x0], $0xffff  }
.Ltmp4:
0xa7: {  	(pc) =	sbr.rel @p0 .LBB2_4-.Ltmp4, $4  }
0xa8: {  	_ = 	snop  }
0xa9: {  	s1 =	sadd.s32 $0x80, s1  }
0xaa: {  	s8 =	sand.u32 $0x400, s1  }
0xab: {  	s13 =	sand.u32 $0x70, s13;
	s18 =	smov.u32 s5;
	s8 =	sadd.s32 s8, s6  }
0xac: {  	s1 =	sadd.s32 s13, s8;
	[tilespmem:s30+$0x380] =	vst v1  }
0xad: {  	v1 =	vld [tilespmem:s1+$0x0];
	_ =	sdelay $0x4  }
0xae: {  	v1 =	vshll.u32 v1, $0x7  }
0xaf: {  	v2 =	vbroadcast v1, $0x0;
	_ =	sdelay $0x1  }
0xb0: {  	v2 =	vor.u32 v0, v2;
	_ =	sdelay $0x3  }
0xb1: {  	v3 =	vbroadcast v1, $0x1  }
0xb2: {  	v2 =	vld.idx.msk [tilespmem:v2+s11+$0x0], $0xffff  }
0xb3: {  	v3 =	vor.u32 v0, v3;
	_ =	sdelay $0x2  }
0xb4: {  	s8 =	sadd.s32 $0x800, s30  }
0xb5: {  	v4 =	vbroadcast v1, $0x2;
	[tilespmem:s8+$0xFFFFFC00] =	vst v2  }
0xb6: {  	v2 =	vld.idx.msk [tilespmem:v3+s11+$0x0], $0xffff  }
0xb7: {  	v3 =	vor.u32 v0, v4;
	_ =	sdelay $0x3  }
0xb8: {  	v39 =	vbroadcast v1, $0x3;
	[tilespmem:s8+$0xFFFFFC80] =	vst v2  }
0xb9: {  	v2 =	vld.idx.msk [tilespmem:v3+s11+$0x0], $0xffff  }
0xba: {  	v3 =	vor.u32 v0, v39;
	_ =	sdelay $0x3  }
0xbb: {  	v40 =	vbroadcast v1, $0x4;
	[tilespmem:s8+$0xFFFFFD00] =	vst v2  }
0xbc: {  	v2 =	vld.idx.msk [tilespmem:v3+s11+$0x0], $0xffff  }
0xbd: {  	v3 =	vor.u32 v0, v40;
	_ =	sdelay $0x3  }
0xbe: {  	v41 =	vbroadcast v1, $0x5;
	[tilespmem:s8+$0xFFFFFD80] =	vst v2  }
0xbf: {  	v2 =	vld.idx.msk [tilespmem:v3+s11+$0x0], $0xffff  }
0xc0: {  	v3 =	vor.u32 v0, v41;
	_ =	sdelay $0x3  }
0xc1: {  	v42 =	vbroadcast v1, $0x6;
	[tilespmem:s8+$0xFFFFFE00] =	vst v2  }
0xc2: {  	v2 =	vld.idx.msk [tilespmem:v3+s11+$0x0], $0xffff  }
0xc3: {  	v3 =	vor.u32 v0, v42;
	_ =	sdelay $0x3  }
0xc4: {  	v43 =	vbroadcast v1, $0x7;
	[tilespmem:s8+$0xFFFFFE80] =	vst v2  }
0xc5: {  	v2 =	vld.idx.msk [tilespmem:v3+s11+$0x0], $0xffff  }
0xc6: {  	v3 =	vor.u32 v0, v43;
	_ =	sdelay $0x3  }
0xc7: {  	v44 =	vbroadcast v1, $0x8;
	[tilespmem:s8+$0xFFFFFF00] =	vst v2  }
0xc8: {  	v2 =	vld.idx.msk [tilespmem:v3+s11+$0x0], $0xffff  }
0xc9: {  	v3 =	vor.u32 v0, v44;
	_ =	sdelay $0x3  }
0xca: {  	v45 =	vbroadcast v1, $0x9;
	[tilespmem:s8+$0xFFFFFF80] =	vst v2  }
0xcb: {  	v2 =	vld.idx.msk [tilespmem:v3+s11+$0x0], $0xffff  }
0xcc: {  	v3 =	vor.u32 v0, v45;
	_ =	sdelay $0x3  }
0xcd: {  	v46 =	vbroadcast v1, $0xA;
	[tilespmem:s8+$0x0] =	vst v2  }
0xce: {  	v2 =	vld.idx.msk [tilespmem:v3+s11+$0x0], $0xffff  }
0xcf: {  	v3 =	vor.u32 v0, v46;
	_ =	sdelay $0x3  }
0xd0: {  	v47 =	vbroadcast v1, $0xB;
	[tilespmem:s8+$0x80] =	vst v2  }
0xd1: {  	v2 =	vld.idx.msk [tilespmem:v3+s11+$0x0], $0xffff  }
0xd2: {  	v3 =	vor.u32 v0, v47;
	_ =	sdelay $0x3  }
0xd3: {  	v48 =	vbroadcast v1, $0xC;
	[tilespmem:s8+$0x100] =	vst v2  }
0xd4: {  	v2 =	vld.idx.msk [tilespmem:v3+s11+$0x0], $0xffff  }
0xd5: {  	v3 =	vor.u32 v0, v48;
	_ =	sdelay $0x3  }
0xd6: {  	v49 =	vbroadcast v1, $0xD;
	[tilespmem:s8+$0x180] =	vst v2  }
0xd7: {  	v2 =	vld.idx.msk [tilespmem:v3+s11+$0x0], $0xffff  }
0xd8: {  	v3 =	vor.u32 v0, v49;
	_ =	sdelay $0x3  }
0xd9: {  	v50 =	vbroadcast v1, $0xE;
	[tilespmem:s8+$0x200] =	vst v2  }
0xda: {  	v2 =	vld.idx.msk [tilespmem:v3+s11+$0x0], $0xffff  }
0xdb: {  	v3 =	vor.u32 v0, v50;
	_ =	sdelay $0x3  }
0xdc: {  	v1 =	vbroadcast v1, $0xF;
	[tilespmem:s8+$0x280] =	vst v2  }
0xdd: {  	v2 =	vld.idx.msk [tilespmem:v3+s11+$0x0], $0xffff  }
0xde: {  	v1 =	vor.u32 v0, v1;
	_ =	sdelay $0x3  }
0xdf: {  	[tilespmem:s8+$0x300] =	vst v2  }
0xe0: {  	v1 =	vld.idx.msk [tilespmem:v1+s11+$0x0], $0xffff;
	_ =	sdelay $0x4  }
0xe1: {  	[tilespmem:s8+$0x380] =	vst v1  }
0xe2: {  	v1 =	vld [tilespmem:s6+$0x438];
	_ =	sdelay $0x4  }
0xe3: {  	v1 =	vshll.u32 v1, $0x7  }
0xe4: {  	v2 =	vbroadcast v1, $0x8;
	_ =	sdelay $0x1  }
0xe5: {  	v2 =	vor.u32 v0, v2;
	_ =	sdelay $0x3  }
0xe6: {  	v3 =	vbroadcast v1, $0x9  }
0xe7: {  	v2 =	vld.idx.msk [tilespmem:v2+s11+$0x0], $0xffff  }
0xe8: {  	v3 =	vor.u32 v0, v3;
	_ =	sdelay $0x3  }
0xe9: {  	[tilespmem:$0x17400] =	vst v2;
	v2 =	vbroadcast v1, $0xA  }
0xea: {  	v3 =	vld.idx.msk [tilespmem:v3+s11+$0x0], $0xffff  }
0xeb: {  	v2 =	vor.u32 v0, v2;
	_ =	sdelay $0x3  }
0xec: {  	[tilespmem:$0x17480] =	vst v3;
	v3 =	vbroadcast v1, $0xB  }
0xed: {  	v2 =	vld.idx.msk [tilespmem:v2+s11+$0x0], $0xffff  }
0xee: {  	v3 =	vor.u32 v0, v3;
	_ =	sdelay $0x3  }
0xef: {  	[tilespmem:$0x17500] =	vst v2;
	v2 =	vbroadcast v1, $0xC  }
0xf0: {  	v3 =	vld.idx.msk [tilespmem:v3+s11+$0x0], $0xffff  }
0xf1: {  	v2 =	vor.u32 v0, v2;
	_ =	sdelay $0x3  }
0xf2: {  	[tilespmem:$0x17580] =	vst v3;
	v3 =	vbroadcast v1, $0xD  }
0xf3: {  	v2 =	vld.idx.msk [tilespmem:v2+s11+$0x0], $0xffff  }
0xf4: {  	v3 =	vor.u32 v0, v3;
	_ =	sdelay $0x3  }
0xf5: {  	[tilespmem:$0x17600] =	vst v2;
	v2 =	vbroadcast v1, $0xE  }
0xf6: {  	v3 =	vld.idx.msk [tilespmem:v3+s11+$0x0], $0xffff  }
0xf7: {  	v2 =	vor.u32 v0, v2;
	_ =	sdelay $0x3  }
0xf8: {  	v1 =	vbroadcast v1, $0xF;
	[tilespmem:$0x17680] =	vst v3  }
0xf9: {  	v2 =	vld.idx.msk [tilespmem:v2+s11+$0x0], $0xffff  }
0xfa: {  	v1 =	vor.u32 v0, v1;
	_ =	sdelay $0x3  }
0xfb: {  	[tilespmem:$0x17700] =	vst v2  }
0xfc: {  	v1 =	vld.idx.msk [tilespmem:v1+s11+$0x0], $0xffff;
	_ =	sdelay $0x4  }
0xfd: {  	[tilespmem:$0x17780] =	vst v1  }
0xfe: {  	_ =	swait.ge [sflag:s22], $0x4000  }
0xff: {  	s6 =	sshll.u32 s3, $0x1;
	[sflag:s22] =	ssyncset.done $0x0  }
0x100: {  	s12 =	sor.u32 s0, s6;
	[sflag:s22] =	ssyncadd.s32 $0xFFFFC000  }
0x101: {  	s1 =	smul.u32 $0x1900, s12;
	_ =	swait.ge [sflag:s22], $0x2400  }
0x102: {  	[sflag:s22] =	ssyncset.done $0x0  }
0x103: {  	s5 =	sadd.s32 s7, s1;
	[sflag:s22] =	ssyncadd.s32 $0xFFFFDC00  }
0x104: {  	[hbm4b:s5+s17] =	stream.strided.scatter [tilespmem:s15], [sflag:$0x3], $0x6400, s23, s17, $0x38;
	[tilespmem:$0x1DC00] =	vst v63  }
0x105: {  	s1 =	sadd.s32 s1, s9  }
0x106: {  	[hbm4b:s1+s17] =	stream.strided.scatter [tilespmem:s24], [sflag:$0x3], $0x6400, s23, s17, $0x38;
	[tilespmem:$0x1DC00] =	vst v63  }
0x107: {  	p0 =	seq.s32 s3, $0xF;
	_ =	swait.ge [sflag:s25], $0x6400  }
0x108: {  	s8 =	simm.s32 @!p0 $0x4C00;
	s30 =	sor.u32 $0x1, s6;
	[sflag:s25] =	ssyncset.done $0x0  }
0x109: {  	s13 =	sshll.u32 s30, $0x7;
	s1 =	sadd.s32 @!p0 $0x2, s6;
	[sflag:s25] =	ssyncadd.s32 $0xFFFF9C00  }
0x10a: {  	s5 =	sshll.u32 @!p0 s1, $0x8;
	s1 =	sshll.u32 @!p0 s1, $0x7;
	_ =	swait.ge [sflag:s25], $0x6400  }
0x10b: {  	s5 =	sand.u32 @!p0 $0x3800, s5;
	s1 =	sand.u32 @!p0 $0x300, s1;
	[sflag:s25] =	ssyncset.done $0x0  }
0x10c: {  	s1 =	sor.u32 @!p0 s1, s5;
	s5 =	simm.s32 @!p0 $0x80;
	[sflag:s25] =	ssyncadd.s32 $0xFFFF9C00  }
0x10d: {  	[tilespmem:s8], [sflag:$0x1] =	stream.indirect.gather @!p0 [hbm4b:s2+s5], $0x80, s1, s5, $0xb8;
	[tilespmem:$0x1DC00] =	vst v63  }
0x10e: {  	s1 =	sor.u32 @!p0 $0x400, s1;
	s5 =	simm.s32 @!p0 $0x48;
	s8 =	simm.s32 @!p0 $0x8C00  }
0x10f: {  	[tilespmem:s8], [sflag:$0x1] =	stream.indirect.gather @!p0 [hbm4b:s2+s5], $0x80, s1, s5, $0xb8;
	[tilespmem:$0x1DC00] =	vst v63  }
0x110: {  	s18 =	simm.s32 $0x0;
	s1 =	sand.u32 $0x380, s13  }
0x111: {  	s20 =	sand.u32 $0x400, s18;
	s10 =	sadd.s32 s1, s10  }
0x112: {  	s5 =	sand.u32 $0x70, s18;
	s1 =	sadd.s32 s20, s10  }
0x113: {  	s1 =	sadd.s32 s5, s1  }
0x114: {  	v1 =	vld [tilespmem:s1+$0x0];
	_ =	sdelay $0x4  }
0x115: {  	v1 =	vshll.u32 v1, $0x7  }
0x116: {  	v2 =	vbroadcast v1, $0x0;
	_ =	sdelay $0x1  }
0x117: {  	v2 =	vor.u32 v0, v2;
	_ =	sdelay $0x3  }
0x118: {  	v3 =	vbroadcast v1, $0x1  }
0x119: {  	v2 =	vld.idx.msk [tilespmem:v2+s11+$0x0], $0xffff  }
0x11a: {  	v3 =	vor.u32 v0, v3;
	_ =	sdelay $0x2  }
0x11b: {  	s1 =	simm.s32 $0x0  }
0x11c: {  	v51 =	vbroadcast v1, $0x2;
	[tilespmem:s1+$0x17800] =	vst v2  }
0x11d: {  	v2 =	vld.idx.msk [tilespmem:v3+s11+$0x0], $0xffff  }
0x11e: {  	v3 =	vor.u32 v0, v51;
	_ =	sdelay $0x3  }
0x11f: {  	v52 =	vbroadcast v1, $0x3;
	[tilespmem:s1+$0x17880] =	vst v2  }
0x120: {  	v2 =	vld.idx.msk [tilespmem:v3+s11+$0x0], $0xffff  }
0x121: {  	v3 =	vor.u32 v0, v52;
	_ =	sdelay $0x3  }
0x122: {  	v53 =	vbroadcast v1, $0x4;
	[tilespmem:s1+$0x17900] =	vst v2  }
0x123: {  	v2 =	vld.idx.msk [tilespmem:v3+s11+$0x0], $0xffff  }
0x124: {  	v3 =	vor.u32 v0, v53;
	_ =	sdelay $0x3  }
0x125: {  	v54 =	vbroadcast v1, $0x5;
	[tilespmem:s1+$0x17980] =	vst v2  }
0x126: {  	v2 =	vld.idx.msk [tilespmem:v3+s11+$0x0], $0xffff  }
0x127: {  	v3 =	vor.u32 v0, v54;
	_ =	sdelay $0x3  }
0x128: {  	v55 =	vbroadcast v1, $0x6;
	[tilespmem:s1+$0x17A00] =	vst v2  }
0x129: {  	v2 =	vld.idx.msk [tilespmem:v3+s11+$0x0], $0xffff  }
0x12a: {  	v3 =	vor.u32 v0, v55;
	_ =	sdelay $0x3  }
0x12b: {  	v56 =	vbroadcast v1, $0x7;
	[tilespmem:s1+$0x17A80] =	vst v2  }
0x12c: {  	v2 =	vld.idx.msk [tilespmem:v3+s11+$0x0], $0xffff  }
0x12d: {  	v3 =	vor.u32 v0, v56;
	_ =	sdelay $0x3  }
0x12e: {  	v57 =	vbroadcast v1, $0x8;
	[tilespmem:s1+$0x17B00] =	vst v2  }
0x12f: {  	v2 =	vld.idx.msk [tilespmem:v3+s11+$0x0], $0xffff  }
0x130: {  	v3 =	vor.u32 v0, v57;
	_ =	sdelay $0x3  }
0x131: {  	v58 =	vbroadcast v1, $0x9;
	[tilespmem:s1+$0x17B80] =	vst v2  }
0x132: {  	v2 =	vld.idx.msk [tilespmem:v3+s11+$0x0], $0xffff  }
0x133: {  	v3 =	vor.u32 v0, v58;
	_ =	sdelay $0x3  }
0x134: {  	v59 =	vbroadcast v1, $0xA;
	[tilespmem:s1+$0x17C00] =	vst v2  }
0x135: {  	v2 =	vld.idx.msk [tilespmem:v3+s11+$0x0], $0xffff  }
0x136: {  	v3 =	vor.u32 v0, v59;
	_ =	sdelay $0x3  }
0x137: {  	v60 =	vbroadcast v1, $0xB;
	[tilespmem:s1+$0x17C80] =	vst v2  }
0x138: {  	v2 =	vld.idx.msk [tilespmem:v3+s11+$0x0], $0xffff  }
0x139: {  	v3 =	vor.u32 v0, v60;
	_ =	sdelay $0x3  }
0x13a: {  	v61 =	vbroadcast v1, $0xC;
	[tilespmem:s1+$0x17D00] =	vst v2  }
0x13b: {  	v2 =	vld.idx.msk [tilespmem:v3+s11+$0x0], $0xffff  }
0x13c: {  	v3 =	vor.u32 v0, v61;
	_ =	sdelay $0x3  }
0x13d: {  	v62 =	vbroadcast v1, $0xD;
	[tilespmem:s1+$0x17D80] =	vst v2  }
0x13e: {  	v2 =	vld.idx.msk [tilespmem:v3+s11+$0x0], $0xffff  }
0x13f: {  	v3 =	vor.u32 v0, v62;
	_ =	sdelay $0x3  }
0x140: {  	v63 =	vbroadcast v1, $0xE;
	[tilespmem:s1+$0x17E00] =	vst v2  }
0x141: {  	v2 =	vld.idx.msk [tilespmem:v3+s11+$0x0], $0xffff  }
0x142: {  	v3 =	vor.u32 v0, v63;
	_ =	sdelay $0x3  }
0x143: {  	v1 =	vbroadcast v1, $0xF;
	[tilespmem:s1+$0x17E80] =	vst v2  }
0x144: {  	v2 =	vld.idx.msk [tilespmem:v3+s11+$0x0], $0xffff  }
0x145: {  	v1 =	vor.u32 v0, v1;
	_ =	sdelay $0x3  }
0x146: {  	[tilespmem:s1+$0x17F00] =	vst v2  }
0x147: {  	v1 =	vld.idx.msk [tilespmem:v1+s11+$0x0], $0xffff  }
0x148: {  	s18 =	simm.s32 $0x80  }
0x149: {  	s13 =	simm.s32 $0x2000;
	s12 =	sand.u32 $0x400, s18;
	s20 =	simm.s32 $0x10  }
0x14a: {  	s12 =	sadd.s32 s12, s10;
	s5 =	simm.s32 $0x4000;
	s8 =	sand.u32 $0x70, s20  }
.LBB2_6:
0x14b: {  	p1 =	sne.s32 s5, $0x16000  }
0x14c: {  	s8 =	sadd.s32 s8, s12;
	[tilespmem:s1+$0x17F80] =	vst v1;
	s12 =	smov.u32 s5;
	s5 =	sadd.s32 $0x2000, s5  }
0x14d: {  	v1 =	vld [tilespmem:s8+$0x0];
	_ =	sdelay $0x4  }
0x14e: {  	v1 =	vshll.u32 v1, $0x7  }
0x14f: {  	v2 =	vbroadcast v1, $0x0;
	v4 =	vbroadcast v1, $0x1  }
0x150: {  	v5 =	vbroadcast v1, $0x2;
	v6 =	vbroadcast v1, $0x3  }
0x151: {  	v7 =	vbroadcast v1, $0x4;
	v8 =	vbroadcast v1, $0x5;
	v2 =	vor.u32 v0, v2  }
0x152: {  	v9 =	vbroadcast v1, $0x6;
	v10 =	vbroadcast v1, $0x7  }
0x153: {  	v11 =	vbroadcast v1, $0x8;
	v12 =	vbroadcast v1, $0x9  }
0x154: {  	v13 =	vbroadcast v1, $0xA;
	v14 =	vbroadcast v1, $0xB  }
0x155: {  	v15 =	vbroadcast v1, $0xC;
	v3 =	vbroadcast v1, $0xD  }
0x156: {  	v16 =	vld.idx.msk [tilespmem:v2+s11+$0x0], $0xffff;
	v2 =	vbroadcast v1, $0xE;
	v1 =	vbroadcast v1, $0xF;
	_ =	sdelay $0x1  }
0x157: {  	v4 =	vor.u32 v0, v4;
	_ =	sdelay $0x2  }
0x158: {  	s1 =	sshra.s32 s13, $0x2;
	s13 =	smov.u32 s12  }
0x159: {  	[tilespmem:s1+$0x17800] =	vst v16  }
0x15a: {  	v4 =	vld.idx.msk [tilespmem:v4+s11+$0x0], $0xffff;
	_ =	sdelay $0x1  }
0x15b: {  	v5 =	vor.u32 v0, v5;
	_ =	sdelay $0x3  }
0x15c: {  	[tilespmem:s1+$0x17880] =	vst v4  }
0x15d: {  	v4 =	vld.idx.msk [tilespmem:v5+s11+$0x0], $0xffff;
	_ =	sdelay $0x1  }
0x15e: {  	v5 =	vor.u32 v0, v6;
	_ =	sdelay $0x3  }
0x15f: {  	[tilespmem:s1+$0x17900] =	vst v4  }
0x160: {  	v4 =	vld.idx.msk [tilespmem:v5+s11+$0x0], $0xffff;
	_ =	sdelay $0x1  }
0x161: {  	v5 =	vor.u32 v0, v7;
	_ =	sdelay $0x3  }
0x162: {  	[tilespmem:s1+$0x17980] =	vst v4  }
0x163: {  	v4 =	vld.idx.msk [tilespmem:v5+s11+$0x0], $0xffff;
	_ =	sdelay $0x1  }
0x164: {  	v5 =	vor.u32 v0, v8;
	_ =	sdelay $0x3  }
0x165: {  	[tilespmem:s1+$0x17A00] =	vst v4  }
0x166: {  	v4 =	vld.idx.msk [tilespmem:v5+s11+$0x0], $0xffff;
	_ =	sdelay $0x1  }
0x167: {  	v5 =	vor.u32 v0, v9;
	_ =	sdelay $0x3  }
0x168: {  	[tilespmem:s1+$0x17A80] =	vst v4  }
0x169: {  	v4 =	vld.idx.msk [tilespmem:v5+s11+$0x0], $0xffff;
	_ =	sdelay $0x1  }
0x16a: {  	v5 =	vor.u32 v0, v10;
	_ =	sdelay $0x3  }
0x16b: {  	[tilespmem:s1+$0x17B00] =	vst v4  }
0x16c: {  	v4 =	vld.idx.msk [tilespmem:v5+s11+$0x0], $0xffff;
	_ =	sdelay $0x1  }
0x16d: {  	v5 =	vor.u32 v0, v11;
	_ =	sdelay $0x3  }
0x16e: {  	[tilespmem:s1+$0x17B80] =	vst v4  }
0x16f: {  	v4 =	vld.idx.msk [tilespmem:v5+s11+$0x0], $0xffff;
	_ =	sdelay $0x1  }
0x170: {  	v5 =	vor.u32 v0, v12;
	_ =	sdelay $0x3  }
0x171: {  	[tilespmem:s1+$0x17C00] =	vst v4  }
0x172: {  	v4 =	vld.idx.msk [tilespmem:v5+s11+$0x0], $0xffff;
	_ =	sdelay $0x1  }
0x173: {  	v5 =	vor.u32 v0, v13;
	_ =	sdelay $0x3  }
0x174: {  	[tilespmem:s1+$0x17C80] =	vst v4  }
0x175: {  	v4 =	vld.idx.msk [tilespmem:v5+s11+$0x0], $0xffff;
	_ =	sdelay $0x1  }
0x176: {  	v5 =	vor.u32 v0, v14;
	_ =	sdelay $0x3  }
0x177: {  	[tilespmem:s1+$0x17D00] =	vst v4  }
0x178: {  	v4 =	vld.idx.msk [tilespmem:v5+s11+$0x0], $0xffff;
	_ =	sdelay $0x1  }
0x179: {  	v5 =	vor.u32 v0, v15;
	_ =	sdelay $0x3  }
0x17a: {  	[tilespmem:s1+$0x17D80] =	vst v4  }
0x17b: {  	v4 =	vld.idx.msk [tilespmem:v5+s11+$0x0], $0xffff;
	_ =	sdelay $0x1  }
0x17c: {  	v3 =	vor.u32 v0, v3;
	_ =	sdelay $0x3  }
0x17d: {  	[tilespmem:s1+$0x17E00] =	vst v4  }
0x17e: {  	v3 =	vld.idx.msk [tilespmem:v3+s11+$0x0], $0xffff;
	_ =	sdelay $0x1  }
0x17f: {  	v2 =	vor.u32 v0, v2;
	_ =	sdelay $0x3  }
0x180: {  	[tilespmem:s1+$0x17E80] =	vst v3  }
0x181: {  	v2 =	vld.idx.msk [tilespmem:v2+s11+$0x0], $0xffff;
	_ =	sdelay $0x1  }
0x182: {  	v1 =	vor.u32 v0, v1;
	_ =	sdelay $0x3  }
0x183: {  	[tilespmem:s1+$0x17F00] =	vst v2  }
0x184: {  	v1 =	vld.idx.msk [tilespmem:v1+s11+$0x0], $0xffff  }
.Ltmp5:
0x185: {  	(pc) =	sbr.rel @p1 .LBB2_6-.Ltmp5, $4  }
0x186: {  	_ = 	snop  }
0x187: {  	s18 =	sadd.s32 $0x80, s18  }
0x188: {  	s20 =	sadd.s32 $0x10, s20;
	s12 =	sand.u32 $0x400, s18  }
0x189: {  	s8 =	sand.u32 $0x70, s20;
	s12 =	sadd.s32 s12, s10  }
0x18a: {  	s5 =	sadd.s32 s8, s12;
	[tilespmem:s1+$0x17F80] =	vst v1  }
0x18b: {  	v1 =	vld [tilespmem:s5+$0x0];
	_ =	sdelay $0x4  }
0x18c: {  	v1 =	vshll.u32 v1, $0x7  }
0x18d: {  	v2 =	vbroadcast v1, $0x0;
	_ =	sdelay $0x1  }
0x18e: {  	v2 =	vor.u32 v0, v2;
	_ =	sdelay $0x3  }
0x18f: {  	v3 =	vbroadcast v1, $0x1  }
0x190: {  	v2 =	vld.idx.msk [tilespmem:v2+s11+$0x0], $0xffff  }
0x191: {  	v3 =	vor.u32 v0, v3;
	_ =	sdelay $0x2  }
0x192: {  	s18 =	sshra.s32 s13, $0x2  }
0x193: {  	v4 =	vbroadcast v1, $0x2;
	[tilespmem:s18+$0x17800] =	vst v2  }
0x194: {  	v2 =	vld.idx.msk [tilespmem:v3+s11+$0x0], $0xffff  }
0x195: {  	v3 =	vor.u32 v0, v4;
	_ =	sdelay $0x3  }
0x196: {  	v52 =	vbroadcast v1, $0x3;
	[tilespmem:s18+$0x17880] =	vst v2  }
0x197: {  	v2 =	vld.idx.msk [tilespmem:v3+s11+$0x0], $0xffff  }
0x198: {  	v3 =	vor.u32 v0, v52;
	_ =	sdelay $0x3  }
0x199: {  	v53 =	vbroadcast v1, $0x4;
	[tilespmem:s18+$0x17900] =	vst v2  }
0x19a: {  	v2 =	vld.idx.msk [tilespmem:v3+s11+$0x0], $0xffff  }
0x19b: {  	v3 =	vor.u32 v0, v53;
	_ =	sdelay $0x3  }
0x19c: {  	v54 =	vbroadcast v1, $0x5;
	[tilespmem:s18+$0x17980] =	vst v2  }
0x19d: {  	v2 =	vld.idx.msk [tilespmem:v3+s11+$0x0], $0xffff  }
0x19e: {  	v3 =	vor.u32 v0, v54;
	_ =	sdelay $0x3  }
0x19f: {  	v55 =	vbroadcast v1, $0x6;
	[tilespmem:s18+$0x17A00] =	vst v2  }
0x1a0: {  	v2 =	vld.idx.msk [tilespmem:v3+s11+$0x0], $0xffff  }
0x1a1: {  	v3 =	vor.u32 v0, v55;
	_ =	sdelay $0x3  }
0x1a2: {  	v56 =	vbroadcast v1, $0x7;
	[tilespmem:s18+$0x17A80] =	vst v2  }
0x1a3: {  	v2 =	vld.idx.msk [tilespmem:v3+s11+$0x0], $0xffff  }
0x1a4: {  	v3 =	vor.u32 v0, v56;
	_ =	sdelay $0x3  }
0x1a5: {  	v57 =	vbroadcast v1, $0x8;
	[tilespmem:s18+$0x17B00] =	vst v2  }
0x1a6: {  	v2 =	vld.idx.msk [tilespmem:v3+s11+$0x0], $0xffff  }
0x1a7: {  	v3 =	vor.u32 v0, v57;
	_ =	sdelay $0x3  }
0x1a8: {  	v58 =	vbroadcast v1, $0x9;
	[tilespmem:s18+$0x17B80] =	vst v2  }
0x1a9: {  	v2 =	vld.idx.msk [tilespmem:v3+s11+$0x0], $0xffff  }
0x1aa: {  	v3 =	vor.u32 v0, v58;
	_ =	sdelay $0x3  }
0x1ab: {  	v59 =	vbroadcast v1, $0xA;
	[tilespmem:s18+$0x17C00] =	vst v2  }
0x1ac: {  	v2 =	vld.idx.msk [tilespmem:v3+s11+$0x0], $0xffff  }
0x1ad: {  	v3 =	vor.u32 v0, v59;
	_ =	sdelay $0x3  }
0x1ae: {  	v60 =	vbroadcast v1, $0xB;
	[tilespmem:s18+$0x17C80] =	vst v2  }
0x1af: {  	v2 =	vld.idx.msk [tilespmem:v3+s11+$0x0], $0xffff  }
0x1b0: {  	v3 =	vor.u32 v0, v60;
	_ =	sdelay $0x3  }
0x1b1: {  	v61 =	vbroadcast v1, $0xC;
	[tilespmem:s18+$0x17D00] =	vst v2  }
0x1b2: {  	v2 =	vld.idx.msk [tilespmem:v3+s11+$0x0], $0xffff  }
0x1b3: {  	v3 =	vor.u32 v0, v61;
	_ =	sdelay $0x3  }
0x1b4: {  	v62 =	vbroadcast v1, $0xD;
	[tilespmem:s18+$0x17D80] =	vst v2  }
0x1b5: {  	v2 =	vld.idx.msk [tilespmem:v3+s11+$0x0], $0xffff  }
0x1b6: {  	v3 =	vor.u32 v0, v62;
	_ =	sdelay $0x3  }
0x1b7: {  	v63 =	vbroadcast v1, $0xE;
	[tilespmem:s18+$0x17E00] =	vst v2  }
0x1b8: {  	v2 =	vld.idx.msk [tilespmem:v3+s11+$0x0], $0xffff  }
0x1b9: {  	v3 =	vor.u32 v0, v63;
	_ =	sdelay $0x3  }
0x1ba: {  	v1 =	vbroadcast v1, $0xF;
	[tilespmem:s18+$0x17E80] =	vst v2  }
0x1bb: {  	v2 =	vld.idx.msk [tilespmem:v3+s11+$0x0], $0xffff  }
0x1bc: {  	v1 =	vor.u32 v0, v1;
	_ =	sdelay $0x3  }
0x1bd: {  	[tilespmem:s18+$0x17F00] =	vst v2  }
0x1be: {  	v1 =	vld.idx.msk [tilespmem:v1+s11+$0x0], $0xffff;
	_ =	sdelay $0x4  }
0x1bf: {  	[tilespmem:s18+$0x17F80] =	vst v1  }
0x1c0: {  	v1 =	vld [tilespmem:s10+$0x438];
	_ =	sdelay $0x4  }
0x1c1: {  	v1 =	vshll.u32 v1, $0x7  }
0x1c2: {  	v2 =	vbroadcast v1, $0x8;
	_ =	sdelay $0x1  }
0x1c3: {  	v2 =	vor.u32 v0, v2;
	_ =	sdelay $0x3  }
0x1c4: {  	v3 =	vbroadcast v1, $0x9  }
0x1c5: {  	v2 =	vld.idx.msk [tilespmem:v2+s11+$0x0], $0xffff  }
0x1c6: {  	v3 =	vor.u32 v0, v3;
	_ =	sdelay $0x3  }
0x1c7: {  	[tilespmem:$0x1D800] =	vst v2;
	v2 =	vbroadcast v1, $0xA  }
0x1c8: {  	v3 =	vld.idx.msk [tilespmem:v3+s11+$0x0], $0xffff  }
0x1c9: {  	v2 =	vor.u32 v0, v2;
	_ =	sdelay $0x3  }
0x1ca: {  	[tilespmem:$0x1D880] =	vst v3;
	v3 =	vbroadcast v1, $0xB  }
0x1cb: {  	v2 =	vld.idx.msk [tilespmem:v2+s11+$0x0], $0xffff  }
0x1cc: {  	v3 =	vor.u32 v0, v3;
	_ =	sdelay $0x3  }
0x1cd: {  	[tilespmem:$0x1D900] =	vst v2;
	v2 =	vbroadcast v1, $0xC  }
0x1ce: {  	v3 =	vld.idx.msk [tilespmem:v3+s11+$0x0], $0xffff  }
0x1cf: {  	v2 =	vor.u32 v0, v2;
	_ =	sdelay $0x3  }
0x1d0: {  	[tilespmem:$0x1D980] =	vst v3;
	v3 =	vbroadcast v1, $0xD  }
0x1d1: {  	v2 =	vld.idx.msk [tilespmem:v2+s11+$0x0], $0xffff  }
0x1d2: {  	v3 =	vor.u32 v0, v3;
	_ =	sdelay $0x3  }
0x1d3: {  	[tilespmem:$0x1DA00] =	vst v2;
	v2 =	vbroadcast v1, $0xE  }
0x1d4: {  	v3 =	vld.idx.msk [tilespmem:v3+s11+$0x0], $0xffff  }
0x1d5: {  	v2 =	vor.u32 v0, v2;
	_ =	sdelay $0x3  }
0x1d6: {  	v1 =	vbroadcast v1, $0xF;
	[tilespmem:$0x1DA80] =	vst v3  }
0x1d7: {  	v2 =	vld.idx.msk [tilespmem:v2+s11+$0x0], $0xffff  }
0x1d8: {  	v1 =	vor.u32 v0, v1;
	_ =	sdelay $0x3  }
0x1d9: {  	[tilespmem:$0x1DB00] =	vst v2  }
0x1da: {  	v1 =	vld.idx.msk [tilespmem:v1+s11+$0x0], $0xffff;
	_ =	sdelay $0x4  }
0x1db: {  	[tilespmem:$0x1DB80] =	vst v1  }
0x1dc: {  	_ =	swait.ge [sflag:s26], $0x4000  }
0x1dd: {  	[sflag:s26] =	ssyncset.done $0x0  }
0x1de: {  	s20 =	sor.u32 s0, s30;
	[sflag:s26] =	ssyncadd.s32 $0xFFFFC000  }
0x1df: {  	s1 =	smul.u32 $0x1900, s20;
	_ =	swait.ge [sflag:s26], $0x2400  }
0x1e0: {  	[sflag:s26] =	ssyncset.done $0x0  }
0x1e1: {  	s30 =	sadd.s32 s7, s1;
	[sflag:s26] =	ssyncadd.s32 $0xFFFFDC00  }
0x1e2: {  	[hbm4b:s30+s17] =	stream.strided.scatter [tilespmem:s19], [sflag:$0x4], $0x6400, s23, s17, $0x38;
	[tilespmem:$0x1DC00] =	vst v63  }
0x1e3: {  	s1 =	sadd.s32 s1, s9  }
0x1e4: {  	[hbm4b:s1+s17] =	stream.strided.scatter [tilespmem:s28], [sflag:$0x4], $0x6400, s23, s17, $0x38;
	[tilespmem:$0x1DC00] =	vst v63  }
0x1e5: {  	_ =	swait.ge [sflag:s29], $0x6400  }
.Ltmp6:
0x1e6: {  	[sflag:s29] =	ssyncset.done $0x0;
	(pc) =	sbr.rel @p0 .LBB2_9-.Ltmp6, $4  }
0x1e7: {  	[sflag:s29] =	ssyncadd.s32 $0xFFFF9C00  }
0x1e8: {  	_ =	swait.ge [sflag:s29], $0x6400  }
0x1e9: {  	[sflag:s29] =	ssyncset.done $0x0  }
0x1ea: {  	[sflag:s29] =	ssyncadd.s32 $0xFFFF9C00  }
0x1eb: {  	s1 =	sadd.s32 $0x3, s6  }
0x1ec: {  	s5 =	sshll.u32 s1, $0x8;
	s1 =	sshll.u32 s1, $0x7  }
.Ltmp7:
0x1ed: {  	s5 =	sand.u32 $0x3800, s5;
	s1 =	sand.u32 $0x380, s1;
	(pc) =	sbr.rel .LBB2_3-.Ltmp7, $4  }
0x1ee: {  	s1 =	sor.u32 s1, s5  }
0x1ef: {  	[tilespmem:s19], [sflag:$0x2] =	stream.indirect.gather [hbm4b:s2+s14], $0x80, s1, s14, $0xb8;
	[tilespmem:$0x1DC00] =	vst v63  }
0x1f0: {  	s3 =	sadd.s32 $0x1, s3;
	s1 =	sor.u32 $0x400, s1  }
0x1f1: {  	[tilespmem:s21], [sflag:$0x2] =	stream.indirect.gather [hbm4b:s2+s16], $0x80, s1, s16, $0xb8;
	[tilespmem:$0x1DC00] =	vst v63  }
.LBB2_11:
0x1f2: {  	_ =	sfence.sel $0x180000  }
0x1f3: {  	[bflag:$0x0] =	sbarrier.arrive $0xFFFF  }
0x1f4: {  	_ =	strace $0x90000047  }
0x1f5: {  	s0 =	stileid.u32;
	[bflag:$0x2] =	sbarrier.arrive $0xFFFF  }
0x1f6: {  	p0 =	sne.s32 s0, $0x0;
	s0 =	rddreg [dreg:$0x3]  }
0x1f7: {  	s0 =	sadd.s32 @!p0 $0x100000, s0  }
0x1f8: {  	[sflag:s0] =	ssyncadd.tile.s32 @!p0 $0x1;
	_ =	shalt  }
.Lfunc_end2:
_tile_overlayer_lowered:
.L_overlay_start_2:
0x1f9: {  	(tag) =	ssettag $0x2  }
0x1fa: {  	s0 =	rddreg [dreg:$0x0];
	s2 =	stileid.u32  }
0x1fb: {  	s1 =	rddreg [dreg:$0x1];
	p0 =	sne.s32 s2, $0x0  }
0x1fc: {  	s3 =	rddreg [dreg:$0x2];
	[bflag:$0x3] =	sbarrier.arrive $0xFFFF;
	s2 =	simm.s32 @!p0 $0x1C05  }
0x1fd: {  	[timem:s3], [sflag:s2] =	dma.local @!p0 [hbm:s0], s1  }
0x1fe: {  	s0 =	simm.s32 @!p0 $0x5  }
0x1ff: {  	_ =	swait.ge @!p0 [sflag:s0], s1  }
0x200: {  	s1 =	ssub.s32 @!p0 $0x0, s1;
	[sflag:s0] =	ssyncset.done @!p0 $0x0  }
0x201: {  	[sflag:s0] =	ssyncadd.s32 @!p0 s1  }
0x202: {  	[bflag:$0x3] =	sbarrier.arrive $0xFFFF  }
0x203: {  	_ =	shalt  }

</sc_bundles>
